<compile_context>
chip_gen: v7x
topology: tpu7x:2x2x1
jax: 0.10.2.dev20260603
libtpu: 0.0.44.dev20260713+nightly
codegen_flags: <defaults>
</compile_context>

<pallas_src>
import functools

import jax
import jax.numpy as jnp
from jax import lax
from jax.experimental import pallas as pl
from jax.experimental.pallas import tpu as pltpu
from jax.experimental.pallas import tpu_sc as plsc

_T = 2048
_D = 768
_H = 64
_E = 64
_BLK = 128
_NB = _T // _BLK
_NCHUNK = 80
_EPG = 16
_NG = _E // _EPG
_HI = jax.lax.Precision.HIGHEST


def _plan_kernel(rin_ref, rl_ref, pos_ref, meta_ref):
    logits = lax.dot_general(rin_ref[...], rl_ref[...], (((1,), (0,)), ((), ())),
                             preferred_element_type=jnp.float32)
    m = jnp.max(logits, axis=1, keepdims=True)
    ii = lax.broadcasted_iota(jnp.int32, (_T, _E), 1)
    idx = jnp.min(jnp.where(logits == m, ii, _E), axis=1, keepdims=True)

    oh = (idx == lax.broadcasted_iota(jnp.int32, (_T, _E), 1)).astype(jnp.float32)
    counts = jnp.sum(oh, axis=0, keepdims=True)
    upper = (lax.broadcasted_iota(jnp.int32, (_E, _E), 0)
             < lax.broadcasted_iota(jnp.int32, (_E, _E), 1)).astype(jnp.float32)
    off = lax.dot_general(counts, upper, (((1,), (0,)), ((), ())),
                          preferred_element_type=jnp.float32, precision=_HI)

    tri = (lax.broadcasted_iota(jnp.int32, (_BLK, _BLK), 1)
           < lax.broadcasted_iota(jnp.int32, (_BLK, _BLK), 0)).astype(jnp.bfloat16)
    run = jnp.zeros((1, _E), jnp.float32)
    for b in range(_NB):
        ohb = oh[b * _BLK:(b + 1) * _BLK, :]
        rank = lax.dot_general(tri, ohb.astype(jnp.bfloat16),
                               (((1,), (0,)), ((), ())),
                               preferred_element_type=jnp.float32)
        posb = jnp.sum(ohb * (off + run + rank), axis=1, keepdims=True)
        pos_ref[b * _BLK:(b + 1) * _BLK, :] = posb.astype(jnp.int32)
        run = run + jnp.sum(ohb, axis=0, keepdims=True)

    inv = jnp.float32(1.0 / _BLK)
    first_blk = jnp.floor(off * inv)
    last_blk = jnp.floor((off + counts - 1.0) * inv)
    nseg = jnp.where(counts > 0, last_blk - first_blk + 1.0, 0.0)
    s = lax.dot_general(nseg, upper, (((1,), (0,)), ((), ())),
                        preferred_element_type=jnp.float32, precision=_HI)

    cc = lax.broadcasted_iota(jnp.int32, (_BLK, _E), 0).astype(jnp.float32)
    ind = (cc >= s) & (cc < s + nseg)
    indf = ind.astype(jnp.float32)
    eef = lax.broadcasted_iota(jnp.int32, (_BLK, _E), 1).astype(jnp.float32)
    eid = jnp.sum(indf * eef, axis=1, keepdims=True)
    sc = jnp.sum(indf * s, axis=1, keepdims=True)
    offc = jnp.sum(indf * off, axis=1, keepdims=True)
    cntc = jnp.sum(indf * counts, axis=1, keepdims=True)
    valid = jnp.sum(indf, axis=1, keepdims=True) > 0.0
    crow = lax.broadcasted_iota(jnp.int32, (_BLK, 1), 0).astype(jnp.float32)
    j = crow - sc
    blk = jnp.floor(offc * inv) + j
    lo = jnp.maximum(offc, blk * _BLK) - blk * _BLK
    hi = jnp.minimum(offc + cntc, (blk + 1.0) * _BLK) - blk * _BLK
    blk = jnp.where(valid, blk, jnp.float32(_NB - 1))
    lo = jnp.where(valid, lo, 0.0)
    hi = jnp.where(valid, hi, 0.0)
    eid = jnp.where(valid, eid, 0.0)
    blk_i = blk.astype(jnp.int32)
    prev = jnp.concatenate([jnp.full((1, 1), -1, jnp.int32), blk_i[:-1, :]], axis=0)
    first = (valid & (blk_i != prev)).astype(jnp.int32)

    eei = lax.broadcasted_iota(jnp.int32, (_BLK, _E), 1)
    crowi = lax.broadcasted_iota(jnp.int32, (_BLK, 1), 0)
    gstart = jnp.sum((eei == crowi * _EPG).astype(jnp.float32) * s,
                     axis=1, keepdims=True)
    k_total = jnp.sum((eei == _E - 1).astype(jnp.float32) * (s + nseg),
                      axis=1, keepdims=True)
    gend = jnp.sum((eei == crowi * _EPG + _EPG).astype(jnp.float32) * s,
                   axis=1, keepdims=True)
    gend = gend + jnp.where(crowi == _NG - 1, k_total, 0.0)
    meta_ref[...] = jnp.concatenate(
        [blk_i, eid.astype(jnp.int32), lo.astype(jnp.int32),
         hi.astype(jnp.int32), first, gstart.astype(jnp.int32),
         gend.astype(jnp.int32), jnp.zeros((_BLK, 1), jnp.int32)], axis=1)


def _ffn_kernel(meta_ref, pes_ref, xs_ref, ge_ref, lin_ref, out_ref, xbf_scr):
    g = pl.program_id(0)

    @pl.when(g == 0)
    def _cast_x():
        xbf_scr[...] = xs_ref[...].astype(jnp.bfloat16)

    base = g * _EPG
    cstart = meta_ref[g, 5]
    cend = meta_ref[g, 6]

    def body(c, carry):
        blk = meta_ref[c, 0]
        eid = meta_ref[c, 1]
        lo = meta_ref[c, 2]
        hi = meta_ref[c, 3]
        first = meta_ref[c, 4]
        el = eid - base
        xb = xbf_scr[pl.ds(blk * _BLK, _BLK), :]
        w = ge_ref[pl.ds(el, 1)].reshape(2 * _H, _D).astype(jnp.bfloat16)
        gg = lax.dot_general(xb, w, (((1,), (1,)), ((), ())),
                             preferred_element_type=jnp.float32)
        act = jax.nn.gelu(gg[:, :_H]) * gg[:, _H:]
        rows = lax.broadcasted_iota(jnp.int32, (_BLK, 1), 0)
        msk = (rows >= lo) & (rows < hi)
        act = act * jnp.where(msk, pes_ref[eid, 0], 0.0)
        lw = lin_ref[pl.ds(el, 1)].reshape(_H, _D).astype(jnp.bfloat16)
        y = lax.dot_general(act.astype(jnp.bfloat16), lw,
                            (((1,), (0,)), ((), ())),
                            preferred_element_type=jnp.float32)
        prevv = out_ref[pl.ds(blk * _BLK, _BLK), :]
        out_ref[pl.ds(blk * _BLK, _BLK), :] = jnp.where(first == 1, y, prevv + y)
        return carry

    lax.fori_loop(cstart, cend, body, 0)


def _sc_scatter_fn(x_hbm, pos_hbm, xs_hbm, pos_v, rows_v, sem):
    nc = 2
    wid = lax.axis_index("s") * nc + lax.axis_index("c")
    rows = _T // 32
    base = wid * rows
    pltpu.sync_copy(pos_hbm.at[pl.ds(base, rows)], pos_v)
    pltpu.sync_copy(x_hbm.at[pl.ds(base, rows)], rows_v)
    pltpu.async_copy(rows_v, xs_hbm.at[pos_v], sem).wait()


def _sc_gather_fn(ys_hbm, pos_hbm, out_hbm, pos_v, rows_v, sem):
    nc = 2
    wid = lax.axis_index("s") * nc + lax.axis_index("c")
    rows = _T // 32
    base = wid * rows
    pltpu.sync_copy(pos_hbm.at[pl.ds(base, rows)], pos_v)
    pltpu.async_copy(ys_hbm.at[pos_v], rows_v, sem).wait()
    pltpu.sync_copy(rows_v, out_hbm.at[pl.ds(base, rows)])


def _sc_call(fn):
    mesh = plsc.VectorSubcoreMesh(core_axis_name="c", subcore_axis_name="s")
    rows = _T // 32
    return functools.partial(
        pl.kernel, mesh=mesh,
        out_type=jax.ShapeDtypeStruct((_T, _D), jnp.float32),
        scratch_types=[
            pltpu.VMEM((rows,), jnp.int32),
            pltpu.VMEM((rows, _D), jnp.float32),
            pltpu.SemaphoreType.DMA,
        ],
    )(fn)


def kernel(x, router_scale, router_logits, gating_einsum, linear, per_expert_scale):
    B, L, D = x.shape
    x32 = x.reshape(L, D).astype(jnp.float32)
    variance = jnp.mean(jnp.square(x32), axis=-1, keepdims=True)
    rin = x32 * lax.rsqrt(variance + 1e-06)
    root = lax.rsqrt(jnp.array(D, dtype=rin.dtype))
    rin = rin * root * router_scale.astype(rin.dtype)

    rin_bf = rin.astype(jnp.bfloat16)
    rl_bf = router_logits.astype(jnp.bfloat16)
    pes2 = per_expert_scale.reshape(_E, 1)

    pos, meta = pl.pallas_call(
        _plan_kernel,
        out_shape=(jax.ShapeDtypeStruct((_T, 1), jnp.int32),
                   jax.ShapeDtypeStruct((_BLK, 8), jnp.int32)),
    )(rin_bf, rl_bf)
    pos1 = pos.reshape(_T)

    xs = _sc_call(_sc_scatter_fn)(x32, pos1)

    ys = pl.pallas_call(
        _ffn_kernel,
        grid=(_NG,),
        in_specs=[
            pl.BlockSpec(memory_space=pltpu.SMEM),
            pl.BlockSpec(memory_space=pltpu.SMEM),
            pl.BlockSpec((_T, _D), lambda g: (0, 0)),
            pl.BlockSpec((_EPG, 2, _H, _D), lambda g: (g, 0, 0, 0)),
            pl.BlockSpec((_EPG, _H, _D), lambda g: (g, 0, 0)),
        ],
        out_specs=pl.BlockSpec((_T, _D), lambda g: (0, 0)),
        out_shape=jax.ShapeDtypeStruct((_T, _D), jnp.float32),
        scratch_shapes=[pltpu.VMEM((_T, _D), jnp.bfloat16)],
    )(meta, pes2, xs, gating_einsum, linear)

    out = _sc_call(_sc_gather_fn)(ys, pos1)
    return out.reshape(B, L, D)

# --- scband reference (transcript-rebuilt; emitter-appended) ---
"""Pipeline reference for scband-mo-e-7206955123114 (READ-ONLY COPY).

The authoritative reference and input builder live on the scoring server;
editing this copy changes nothing except your own understanding.
"""

import jax, jax.numpy as jnp
import numpy as np

FEATURES = 768
HIDDEN = 64
NUM_EXPERTS = 64
TOP_K = 1


def setup_inputs(seed: int = 0) -> dict:
    key = jax.random.key(seed)
    ks = jax.random.split(key, 4)
    x = jax.random.normal(ks[0], (1, 2048, FEATURES), dtype=jnp.float32)
    router_scale = jnp.ones((FEATURES,), dtype=jnp.float32)
    router_logits = jax.random.normal(ks[1], (FEATURES, NUM_EXPERTS), dtype=jnp.float32) * 0.02
    gating_einsum = jax.random.normal(ks[2], (NUM_EXPERTS, 2, HIDDEN, FEATURES), dtype=jnp.float32) * 0.02
    linear = jax.random.normal(ks[3], (NUM_EXPERTS, HIDDEN, FEATURES), dtype=jnp.float32) * 0.02
    per_expert_scale = jnp.ones((NUM_EXPERTS,), dtype=jnp.float32)
    return {"x": x, "router_scale": router_scale, "router_logits": router_logits,
            "gating_einsum": gating_einsum, "linear": linear,
            "per_expert_scale": per_expert_scale}


def _rms_norm_no_scale(x):
    x32 = x.astype(jnp.float32)
    variance = jnp.mean(jnp.square(x32), axis=-1, keepdims=True)
    return x32 * jax.lax.rsqrt(variance + 1e-06)


def reference(x, router_scale, router_logits, gating_einsum, linear, per_expert_scale):
    B, L, D = x.shape
    router_input = _rms_norm_no_scale(x)
    root_size = jax.lax.rsqrt(jnp.array(D, dtype=router_input.dtype))
    router_input = router_input * root_size * router_scale.astype(router_input.dtype)
    logits = jnp.dot(router_input, router_logits)
    logits_f32 = logits.astype(jnp.float32)
    probs = jax.nn.softmax(logits_f32, axis=-1)
    top_k_logits, top_k_indices = jax.lax.top_k(logits_f32, TOP_K)
    indicator = jax.nn.one_hot(top_k_indices, NUM_EXPERTS, dtype=probs.dtype)
    gate_weights = indicator.sum(axis=-2) * probs
    renorm = jnp.sum(gate_weights, axis=-1, keepdims=True)
    renorm = jnp.where(renorm > 0.0, renorm, 1.0)
    weights = probs / renorm
    top_k_weights = jnp.take_along_axis(weights, top_k_indices, axis=-1)
    output = jnp.zeros_like(x)
    for ki in range(TOP_K):
        expert_idx = top_k_indices[:, :, ki]
        expert_w = top_k_weights[:, :, ki]
        gate_params = gating_einsum[expert_idx]
        lin_params = linear[expert_idx]
        escale = per_expert_scale[expert_idx]
        gate_0 = jnp.einsum('bld,blhd->blh', x, gate_params[:, :, 0, :, :])
        gate_1 = jnp.einsum('bld,blhd->blh', x, gate_params[:, :, 1, :, :])
        activated = jax.nn.gelu(gate_0) * gate_1
        expert_out = jnp.einsum('blh,blhd->bld', activated, lin_params)
        expert_out = expert_out * escale[..., jnp.newaxis]
        expert_out = expert_out * expert_w[..., jnp.newaxis]
        output = output + expert_out
    return output

if __name__ == "__main__":
    import jax
    _d = setup_inputs()
    print(jax.jit(kernel)(*tuple(_d.values())))

</pallas_src>

<mosaic_0001>
#map = affine_map<(d0, d1) -> (0, 0)>
#map1 = affine_map<(d0, d1) -> (0)>
module attributes {stable_mosaic.version = 14 : i64} {
  func.func @_sc_gather_fn(%arg0: i32, %arg1: i32, %arg2: memref<2048x768xf32, #tpu.memory_space<hbm>>, %arg3: memref<2048xi32, #tpu.memory_space<hbm>>, %arg4: memref<2048x768xf32, #tpu.memory_space<hbm>>, %arg5: memref<64xi32, #tpu.memory_space<vmem>>, %arg6: memref<64x768xf32, #tpu.memory_space<vmem>>, %arg7: memref<!tpu.dma_semaphore, #tpu.memory_space<semaphore_mem>>) attributes {dimension_semantics = [#tpu.dimension_semantics<core_parallel>, #tpu.dimension_semantics<subcore_parallel>], iteration_bounds = array<i64: 2, 16>, scalar_prefetch = 0 : i64, scratch_operands = 3 : i64, tpu.core_type = #tpu.core_type<sc_vector_subcore>, window_params = [{transform_indices = #map}, {transform_indices = #map1}, {transform_indices = #map}]} {
    %mul3A = arith.constant 2 : i32
    %mul3A_0 = arith.muli %arg1, %mul3A : i32
    %add3A = arith.addi %mul3A_0, %arg0 : i32
    %mul3A_1 = arith.constant 64 : i32
    %mul3A_2 = arith.muli %add3A, %mul3A_1 : i32
    "tpu.region"() ({
      %run_scoped3A = tpu.sem_alloc : memref<!tpu.dma_semaphore, #tpu.memory_space<semaphore_mem>>
      %dma_start3A_7 = tpu.memref_slice %arg3[%mul3A_2] : memref<2048xi32, #tpu.memory_space<hbm>> -> memref<64xi32, #tpu.memory_space<hbm>>
      %dma_start3A_8 = tpu.memref_slice %arg3[%mul3A_2] : memref<2048xi32, #tpu.memory_space<hbm>> -> memref<64xi32, #tpu.memory_space<hbm>>
      tpu.enqueue_dma source(%dma_start3A_8 : memref<64xi32, #tpu.memory_space<hbm>>) target(%arg5 : memref<64xi32, #tpu.memory_space<vmem>>) target_semaphore(%run_scoped3A : memref<!tpu.dma_semaphore, #tpu.memory_space<semaphore_mem>>)
      %dma_wait3A_9 = tpu.memref_slice %arg3[%mul3A_2] : memref<2048xi32, #tpu.memory_space<hbm>> -> memref<64xi32, #tpu.memory_space<hbm>>
      %dma_wait3A_10 = tpu.memref_slice %arg3[%mul3A_2] : memref<2048xi32, #tpu.memory_space<hbm>> -> memref<64xi32, #tpu.memory_space<hbm>>
      tpu.wait_dma2 semaphore(%run_scoped3A : memref<!tpu.dma_semaphore, #tpu.memory_space<semaphore_mem>>) src(%dma_wait3A_10 : memref<64xi32, #tpu.memory_space<hbm>>) dst(%arg5 : memref<64xi32, #tpu.memory_space<vmem>>)
      tpu.yield
    }) : () -> ()
    %dma_start3A = arith.constant 0 : i32
    %dma_start3A_3 = arith.constant 0 : i32
    %dma_start3A_4 = tpu.memref_slice %arg2[%dma_start3A, %dma_start3A_3] : memref<2048x768xf32, #tpu.memory_space<hbm>> -> memref<2048x768xf32, #tpu.memory_space<hbm>>
    tpu.enqueue_indirect_dma source(%dma_start3A_4 : memref<2048x768xf32, #tpu.memory_space<hbm>>) target(%arg6 : memref<64x768xf32, #tpu.memory_space<vmem>>) offsets(%arg5 : memref<64xi32, #tpu.memory_space<vmem>>) semaphore(%arg7 : memref<!tpu.dma_semaphore, #tpu.memory_space<semaphore_mem>>)
    %dma_wait3A = arith.constant 0 : i32
    %dma_wait3A_5 = arith.constant 0 : i32
    %dma_wait3A_6 = tpu.memref_slice %arg2[%dma_wait3A, %dma_wait3A_5] : memref<2048x768xf32, #tpu.memory_space<hbm>> -> memref<2048x768xf32, #tpu.memory_space<hbm>>
    tpu.wait_indirect_dma semaphore(%arg7 : memref<!tpu.dma_semaphore, #tpu.memory_space<semaphore_mem>>) src(%dma_wait3A_6 : memref<2048x768xf32, #tpu.memory_space<hbm>>) dst(%arg6 : memref<64x768xf32, #tpu.memory_space<vmem>>)
    "tpu.region"() ({
      %run_scoped3A = tpu.sem_alloc : memref<!tpu.dma_semaphore, #tpu.memory_space<semaphore_mem>>
      %dma_start3A_7 = arith.constant 0 : i32
      %dma_start3A_8 = tpu.memref_slice %arg4[%mul3A_2, %dma_start3A_7] : memref<2048x768xf32, #tpu.memory_space<hbm>> -> memref<64x768xf32, #tpu.memory_space<hbm>>
      %dma_start3A_9 = arith.constant 0 : i32
      %dma_start3A_10 = tpu.memref_slice %arg4[%mul3A_2, %dma_start3A_9] : memref<2048x768xf32, #tpu.memory_space<hbm>> -> memref<64x768xf32, #tpu.memory_space<hbm>>
      tpu.enqueue_dma source(%arg6 : memref<64x768xf32, #tpu.memory_space<vmem>>) target(%dma_start3A_10 : memref<64x768xf32, #tpu.memory_space<hbm>>) target_semaphore(%run_scoped3A : memref<!tpu.dma_semaphore, #tpu.memory_space<semaphore_mem>>)
      %dma_wait3A_11 = arith.constant 0 : i32
      %dma_wait3A_12 = tpu.memref_slice %arg4[%mul3A_2, %dma_wait3A_11] : memref<2048x768xf32, #tpu.memory_space<hbm>> -> memref<64x768xf32, #tpu.memory_space<hbm>>
      %dma_wait3A_13 = arith.constant 0 : i32
      %dma_wait3A_14 = tpu.memref_slice %arg4[%mul3A_2, %dma_wait3A_13] : memref<2048x768xf32, #tpu.memory_space<hbm>> -> memref<64x768xf32, #tpu.memory_space<hbm>>
      tpu.wait_dma2 semaphore(%run_scoped3A : memref<!tpu.dma_semaphore, #tpu.memory_space<semaphore_mem>>) src(%arg6 : memref<64x768xf32, #tpu.memory_space<vmem>>) dst(%dma_wait3A_14 : memref<64x768xf32, #tpu.memory_space<hbm>>)
      tpu.yield
    }) : () -> ()
    return
  }
}

#map = affine_map<(d0, d1) -> (0, 0)>
#map1 = affine_map<(d0, d1) -> (0)>
module attributes {stable_mosaic.version = 14 : i64} {
  func.func @_sc_scatter_fn(%arg0: i32, %arg1: i32, %arg2: memref<2048x768xf32, #tpu.memory_space<hbm>>, %arg3: memref<2048xi32, #tpu.memory_space<hbm>>, %arg4: memref<2048x768xf32, #tpu.memory_space<hbm>>, %arg5: memref<64xi32, #tpu.memory_space<vmem>>, %arg6: memref<64x768xf32, #tpu.memory_space<vmem>>, %arg7: memref<!tpu.dma_semaphore, #tpu.memory_space<semaphore_mem>>) attributes {dimension_semantics = [#tpu.dimension_semantics<core_parallel>, #tpu.dimension_semantics<subcore_parallel>], iteration_bounds = array<i64: 2, 16>, scalar_prefetch = 0 : i64, scratch_operands = 3 : i64, tpu.core_type = #tpu.core_type<sc_vector_subcore>, window_params = [{transform_indices = #map}, {transform_indices = #map1}, {transform_indices = #map}]} {
    %mul3A = arith.constant 2 : i32
    %mul3A_0 = arith.muli %arg1, %mul3A : i32
    %add3A = arith.addi %mul3A_0, %arg0 : i32
    %mul3A_1 = arith.constant 64 : i32
    %mul3A_2 = arith.muli %add3A, %mul3A_1 : i32
    "tpu.region"() ({
      %run_scoped3A = tpu.sem_alloc : memref<!tpu.dma_semaphore, #tpu.memory_space<semaphore_mem>>
      %dma_start3A_7 = tpu.memref_slice %arg3[%mul3A_2] : memref<2048xi32, #tpu.memory_space<hbm>> -> memref<64xi32, #tpu.memory_space<hbm>>
      %dma_start3A_8 = tpu.memref_slice %arg3[%mul3A_2] : memref<2048xi32, #tpu.memory_space<hbm>> -> memref<64xi32, #tpu.memory_space<hbm>>
      tpu.enqueue_dma source(%dma_start3A_8 : memref<64xi32, #tpu.memory_space<hbm>>) target(%arg5 : memref<64xi32, #tpu.memory_space<vmem>>) target_semaphore(%run_scoped3A : memref<!tpu.dma_semaphore, #tpu.memory_space<semaphore_mem>>)
      %dma_wait3A_9 = tpu.memref_slice %arg3[%mul3A_2] : memref<2048xi32, #tpu.memory_space<hbm>> -> memref<64xi32, #tpu.memory_space<hbm>>
      %dma_wait3A_10 = tpu.memref_slice %arg3[%mul3A_2] : memref<2048xi32, #tpu.memory_space<hbm>> -> memref<64xi32, #tpu.memory_space<hbm>>
      tpu.wait_dma2 semaphore(%run_scoped3A : memref<!tpu.dma_semaphore, #tpu.memory_space<semaphore_mem>>) src(%dma_wait3A_10 : memref<64xi32, #tpu.memory_space<hbm>>) dst(%arg5 : memref<64xi32, #tpu.memory_space<vmem>>)
      tpu.yield
    }) : () -> ()
    "tpu.region"() ({
      %run_scoped3A = tpu.sem_alloc : memref<!tpu.dma_semaphore, #tpu.memory_space<semaphore_mem>>
      %dma_start3A_7 = arith.constant 0 : i32
      %dma_start3A_8 = tpu.memref_slice %arg2[%mul3A_2, %dma_start3A_7] : memref<2048x768xf32, #tpu.memory_space<hbm>> -> memref<64x768xf32, #tpu.memory_space<hbm>>
      %dma_start3A_9 = arith.constant 0 : i32
      %dma_start3A_10 = tpu.memref_slice %arg2[%mul3A_2, %dma_start3A_9] : memref<2048x768xf32, #tpu.memory_space<hbm>> -> memref<64x768xf32, #tpu.memory_space<hbm>>
      tpu.enqueue_dma source(%dma_start3A_10 : memref<64x768xf32, #tpu.memory_space<hbm>>) target(%arg6 : memref<64x768xf32, #tpu.memory_space<vmem>>) target_semaphore(%run_scoped3A : memref<!tpu.dma_semaphore, #tpu.memory_space<semaphore_mem>>)
      %dma_wait3A_11 = arith.constant 0 : i32
      %dma_wait3A_12 = tpu.memref_slice %arg2[%mul3A_2, %dma_wait3A_11] : memref<2048x768xf32, #tpu.memory_space<hbm>> -> memref<64x768xf32, #tpu.memory_space<hbm>>
      %dma_wait3A_13 = arith.constant 0 : i32
      %dma_wait3A_14 = tpu.memref_slice %arg2[%mul3A_2, %dma_wait3A_13] : memref<2048x768xf32, #tpu.memory_space<hbm>> -> memref<64x768xf32, #tpu.memory_space<hbm>>
      tpu.wait_dma2 semaphore(%run_scoped3A : memref<!tpu.dma_semaphore, #tpu.memory_space<semaphore_mem>>) src(%dma_wait3A_14 : memref<64x768xf32, #tpu.memory_space<hbm>>) dst(%arg6 : memref<64x768xf32, #tpu.memory_space<vmem>>)
      tpu.yield
    }) : () -> ()
    %dma_start3A = arith.constant 0 : i32
    %dma_start3A_3 = arith.constant 0 : i32
    %dma_start3A_4 = tpu.memref_slice %arg4[%dma_start3A, %dma_start3A_3] : memref<2048x768xf32, #tpu.memory_space<hbm>> -> memref<2048x768xf32, #tpu.memory_space<hbm>>
    tpu.enqueue_indirect_dma source(%arg6 : memref<64x768xf32, #tpu.memory_space<vmem>>) target(%dma_start3A_4 : memref<2048x768xf32, #tpu.memory_space<hbm>>) offsets(%arg5 : memref<64xi32, #tpu.memory_space<vmem>>) semaphore(%arg7 : memref<!tpu.dma_semaphore, #tpu.memory_space<semaphore_mem>>)
    %dma_wait3A = arith.constant 0 : i32
    %dma_wait3A_5 = arith.constant 0 : i32
    %dma_wait3A_6 = tpu.memref_slice %arg4[%dma_wait3A, %dma_wait3A_5] : memref<2048x768xf32, #tpu.memory_space<hbm>> -> memref<2048x768xf32, #tpu.memory_space<hbm>>
    tpu.wait_indirect_dma semaphore(%arg7 : memref<!tpu.dma_semaphore, #tpu.memory_space<semaphore_mem>>) src(%arg6 : memref<64x768xf32, #tpu.memory_space<vmem>>) dst(%dma_wait3A_6 : memref<2048x768xf32, #tpu.memory_space<hbm>>)
    return
  }
}

module attributes {stable_mosaic.version = 14 : i64} {
  func.func @_plan_kernel(%arg0: memref<2048x768xbf16, #tpu.memory_space<vmem>>, %arg1: memref<768x64xbf16, #tpu.memory_space<vmem>>, %arg2: memref<2048x1xi32, #tpu.memory_space<vmem>>, %arg3: memref<128x8xi32, #tpu.memory_space<vmem>>) attributes {dimension_semantics = [], scalar_prefetch = 0 : i64, scratch_operands = 0 : i64, tpu.core_type = #tpu.core_type<tc>} {
    %get3A = arith.constant 0 : index
    %get3A_0 = arith.constant 0 : index
    %get3A_1 = vector.load %arg0[%get3A, %get3A_0] : memref<2048x768xbf16, #tpu.memory_space<vmem>>, vector<2048x768xbf16>
    %get3A_2 = arith.constant 0 : index
    %get3A_3 = arith.constant 0 : index
    %get3A_4 = vector.load %arg1[%get3A_2, %get3A_3] : memref<768x64xbf16, #tpu.memory_space<vmem>>, vector<768x64xbf16>
    %dot_general3A = arith.constant dense<0.000000e+00> : vector<2048x64xf32>
    %dot_general3A_5 = tpu.matmul %get3A_1, %get3A_4, %dot_general3A {dimension_numbers = #tpu.dot_dimension_numbers<[1], [0], [0], [1], [0, 0, 1, 1], [], []>, transpose_lhs_hint = false} : vector<2048x768xbf16>, vector<768x64xbf16>, vector<2048x64xf32> -> vector<2048x64xf32>
    %reduce_max3A = arith.constant dense<0xFF800000> : vector<2048xf32>
    %reduce_max3A_6 = vector.multi_reduction <maximumf>, %dot_general3A_5, %reduce_max3A [1] : vector<2048x64xf32> to vector<2048xf32>
    %broadcast_in_dim3A = vector.shape_cast %reduce_max3A_6 : vector<2048xf32> to vector<2048x1xf32>
    %iota3A = tpu.iota {dimensions = array<i32: 1>} : vector<2048x64xi32>
    %eq3A = vector.broadcast %broadcast_in_dim3A : vector<2048x1xf32> to vector<2048x64xf32>
    %eq3A_7 = arith.cmpf oeq, %dot_general3A_5, %eq3A : vector<2048x64xf32>
    %jit3A = arith.constant 64 : i32
    %broadcast_in_dim3A_8 = vector.broadcast %jit3A : i32 to vector<2048x64xi32>
    %select_n3A = arith.select %eq3A_7, %iota3A, %broadcast_in_dim3A_8 : vector<2048x64xi1>, vector<2048x64xi32>
    %reduce_min3A = arith.constant dense<2147483647> : vector<2048xi32>
    %reduce_min3A_9 = vector.multi_reduction <minsi>, %select_n3A, %reduce_min3A [1] : vector<2048x64xi32> to vector<2048xi32>
    %broadcast_in_dim3A_10 = vector.shape_cast %reduce_min3A_9 : vector<2048xi32> to vector<2048x1xi32>
    %iota3A_11 = tpu.iota {dimensions = array<i32: 1>} : vector<2048x64xi32>
    %eq3A_12 = vector.broadcast %broadcast_in_dim3A_10 : vector<2048x1xi32> to vector<2048x64xi32>
    %eq3A_13 = arith.cmpi eq, %eq3A_12, %iota3A_11 : vector<2048x64xi32>
    %convert_element_type3A = arith.extui %eq3A_13 : vector<2048x64xi1> to vector<2048x64xi32>
    %convert_element_type3A_14 = arith.sitofp %convert_element_type3A : vector<2048x64xi32> to vector<2048x64xf32>
    %reduce_sum3A = arith.constant dense<0.000000e+00> : vector<64xf32>
    %reduce_sum3A_15 = vector.multi_reduction <add>, %convert_element_type3A_14, %reduce_sum3A [0] : vector<2048x64xf32> to vector<64xf32>
    %broadcast_in_dim3A_16 = vector.shape_cast %reduce_sum3A_15 : vector<64xf32> to vector<1x64xf32>
    %iota3A_17 = tpu.iota {dimensions = array<i32: 0>} : vector<64x64xi32>
    %iota3A_18 = tpu.iota {dimensions = array<i32: 1>} : vector<64x64xi32>
    %lt3A = arith.cmpi slt, %iota3A_17, %iota3A_18 : vector<64x64xi32>
    %convert_element_type3A_19 = arith.extui %lt3A : vector<64x64xi1> to vector<64x64xi32>
    %convert_element_type3A_20 = arith.sitofp %convert_element_type3A_19 : vector<64x64xi32> to vector<64x64xf32>
    %dot_general3A_21 = arith.constant dense<0.000000e+00> : vector<1x64xf32>
    %dot_general3A_22 = tpu.matmul %broadcast_in_dim3A_16, %convert_element_type3A_20, %dot_general3A_21 {dimension_numbers = #tpu.dot_dimension_numbers<[1], [0], [0], [1], [0, 0, 1, 1], [], []>, precision = #tpu.contract_precision<fp32>, transpose_lhs_hint = false} : vector<1x64xf32>, vector<64x64xf32>, vector<1x64xf32> -> vector<1x64xf32>
    %iota3A_23 = tpu.iota {dimensions = array<i32: 1>} : vector<128x128xi32>
    %iota3A_24 = tpu.iota {dimensions = array<i32: 0>} : vector<128x128xi32>
    %lt3A_25 = arith.cmpi slt, %iota3A_23, %iota3A_24 : vector<128x128xi32>
    %convert_element_type3A_26 = arith.extui %lt3A_25 : vector<128x128xi1> to vector<128x128xi32>
    %convert_element_type3A_27 = arith.sitofp %convert_element_type3A_26 : vector<128x128xi32> to vector<128x128xf32>
    %convert_element_type3A_28 = arith.truncf %convert_element_type3A_27 : vector<128x128xf32> to vector<128x128xbf16>
    %broadcast_in_dim3A_29 = arith.constant 0.000000e+00 : f32
    %broadcast_in_dim3A_30 = vector.broadcast %broadcast_in_dim3A_29 : f32 to vector<1x64xf32>
    %slice3A = vector.extract_strided_slice %convert_element_type3A_14 {offsets = [0, 0], sizes = [128, 64], strides = [1, 1]} : vector<2048x64xf32> to vector<128x64xf32>
    %convert_element_type3A_31 = arith.truncf %slice3A : vector<128x64xf32> to vector<128x64xbf16>
    %dot_general3A_32 = arith.constant dense<0.000000e+00> : vector<128x64xf32>
    %dot_general3A_33 = tpu.matmul %convert_element_type3A_28, %convert_element_type3A_31, %dot_general3A_32 {dimension_numbers = #tpu.dot_dimension_numbers<[1], [0], [0], [1], [0, 0, 1, 1], [], []>, transpose_lhs_hint = false} : vector<128x128xbf16>, vector<128x64xbf16>, vector<128x64xf32> -> vector<128x64xf32>
    %add3A = arith.addf %dot_general3A_22, %broadcast_in_dim3A_30 : vector<1x64xf32>
    %add3A_34 = vector.broadcast %add3A : vector<1x64xf32> to vector<128x64xf32>
    %add3A_35 = arith.addf %add3A_34, %dot_general3A_33 : vector<128x64xf32>
    %mul3A = arith.mulf %slice3A, %add3A_35 : vector<128x64xf32>
    %reduce_sum3A_36 = arith.constant dense<0.000000e+00> : vector<128xf32>
    %reduce_sum3A_37 = vector.multi_reduction <add>, %mul3A, %reduce_sum3A_36 [1] : vector<128x64xf32> to vector<128xf32>
    %broadcast_in_dim3A_38 = vector.shape_cast %reduce_sum3A_37 : vector<128xf32> to vector<128x1xf32>
    %convert_element_type3A_39 = arith.fptosi %broadcast_in_dim3A_38 : vector<128x1xf32> to vector<128x1xi32>
    %swap3A = arith.constant 0 : index
    %swap3A_40 = arith.constant 0 : index
    %swap3A_41 = vector.load %arg2[%swap3A, %swap3A_40] : memref<2048x1xi32, #tpu.memory_space<vmem>>, vector<128x1xi32>
    tpu.vector_store %arg2[%swap3A, %swap3A_40], %convert_element_type3A_39 {strides = array<i32>} : memref<2048x1xi32, #tpu.memory_space<vmem>>, vector<128x1xi32>,
    %reduce_sum3A_42 = arith.constant dense<0.000000e+00> : vector<64xf32>
    %reduce_sum3A_43 = vector.multi_reduction <add>, %slice3A, %reduce_sum3A_42 [0] : vector<128x64xf32> to vector<64xf32>
    %broadcast_in_dim3A_44 = vector.shape_cast %reduce_sum3A_43 : vector<64xf32> to vector<1x64xf32>
    %add3A_45 = arith.addf %broadcast_in_dim3A_30, %broadcast_in_dim3A_44 : vector<1x64xf32>
    %slice3A_46 = vector.extract_strided_slice %convert_element_type3A_14 {offsets = [128, 0], sizes = [128, 64], strides = [1, 1]} : vector<2048x64xf32> to vector<128x64xf32>
    %convert_element_type3A_47 = arith.truncf %slice3A_46 : vector<128x64xf32> to vector<128x64xbf16>
    %dot_general3A_48 = arith.constant dense<0.000000e+00> : vector<128x64xf32>
    %dot_general3A_49 = tpu.matmul %convert_element_type3A_28, %convert_element_type3A_47, %dot_general3A_48 {dimension_numbers = #tpu.dot_dimension_numbers<[1], [0], [0], [1], [0, 0, 1, 1], [], []>, transpose_lhs_hint = false} : vector<128x128xbf16>, vector<128x64xbf16>, vector<128x64xf32> -> vector<128x64xf32>
    %add3A_50 = arith.addf %dot_general3A_22, %add3A_45 : vector<1x64xf32>
    %add3A_51 = vector.broadcast %add3A_50 : vector<1x64xf32> to vector<128x64xf32>
    %add3A_52 = arith.addf %add3A_51, %dot_general3A_49 : vector<128x64xf32>
    %mul3A_53 = arith.mulf %slice3A_46, %add3A_52 : vector<128x64xf32>
    %reduce_sum3A_54 = arith.constant dense<0.000000e+00> : vector<128xf32>
    %reduce_sum3A_55 = vector.multi_reduction <add>, %mul3A_53, %reduce_sum3A_54 [1] : vector<128x64xf32> to vector<128xf32>
    %broadcast_in_dim3A_56 = vector.shape_cast %reduce_sum3A_55 : vector<128xf32> to vector<128x1xf32>
    %convert_element_type3A_57 = arith.fptosi %broadcast_in_dim3A_56 : vector<128x1xf32> to vector<128x1xi32>
    %swap3A_58 = arith.constant 128 : index
    %swap3A_59 = arith.constant 0 : index
    %swap3A_60 = vector.load %arg2[%swap3A_58, %swap3A_59] : memref<2048x1xi32, #tpu.memory_space<vmem>>, vector<128x1xi32>
    tpu.vector_store %arg2[%swap3A_58, %swap3A_59], %convert_element_type3A_57 {strides = array<i32>} : memref<2048x1xi32, #tpu.memory_space<vmem>>, vector<128x1xi32>,
    %reduce_sum3A_61 = arith.constant dense<0.000000e+00> : vector<64xf32>
    %reduce_sum3A_62 = vector.multi_reduction <add>, %slice3A_46, %reduce_sum3A_61 [0] : vector<128x64xf32> to vector<64xf32>
    %broadcast_in_dim3A_63 = vector.shape_cast %reduce_sum3A_62 : vector<64xf32> to vector<1x64xf32>
    %add3A_64 = arith.addf %add3A_45, %broadcast_in_dim3A_63 : vector<1x64xf32>
    %slice3A_65 = vector.extract_strided_slice %convert_element_type3A_14 {offsets = [256, 0], sizes = [128, 64], strides = [1, 1]} : vector<2048x64xf32> to vector<128x64xf32>
    %convert_element_type3A_66 = arith.truncf %slice3A_65 : vector<128x64xf32> to vector<128x64xbf16>
    %dot_general3A_67 = arith.constant dense<0.000000e+00> : vector<128x64xf32>
    %dot_general3A_68 = tpu.matmul %convert_element_type3A_28, %convert_element_type3A_66, %dot_general3A_67 {dimension_numbers = #tpu.dot_dimension_numbers<[1], [0], [0], [1], [0, 0, 1, 1], [], []>, transpose_lhs_hint = false} : vector<128x128xbf16>, vector<128x64xbf16>, vector<128x64xf32> -> vector<128x64xf32>
    %add3A_69 = arith.addf %dot_general3A_22, %add3A_64 : vector<1x64xf32>
    %add3A_70 = vector.broadcast %add3A_69 : vector<1x64xf32> to vector<128x64xf32>
    %add3A_71 = arith.addf %add3A_70, %dot_general3A_68 : vector<128x64xf32>
    %mul3A_72 = arith.mulf %slice3A_65, %add3A_71 : vector<128x64xf32>
    %reduce_sum3A_73 = arith.constant dense<0.000000e+00> : vector<128xf32>
    %reduce_sum3A_74 = vector.multi_reduction <add>, %mul3A_72, %reduce_sum3A_73 [1] : vector<128x64xf32> to vector<128xf32>
    %broadcast_in_dim3A_75 = vector.shape_cast %reduce_sum3A_74 : vector<128xf32> to vector<128x1xf32>
    %convert_element_type3A_76 = arith.fptosi %broadcast_in_dim3A_75 : vector<128x1xf32> to vector<128x1xi32>
    %swap3A_77 = arith.constant 256 : index
    %swap3A_78 = arith.constant 0 : index
    %swap3A_79 = vector.load %arg2[%swap3A_77, %swap3A_78] : memref<2048x1xi32, #tpu.memory_space<vmem>>, vector<128x1xi32>
    tpu.vector_store %arg2[%swap3A_77, %swap3A_78], %convert_element_type3A_76 {strides = array<i32>} : memref<2048x1xi32, #tpu.memory_space<vmem>>, vector<128x1xi32>,
    %reduce_sum3A_80 = arith.constant dense<0.000000e+00> : vector<64xf32>
    %reduce_sum3A_81 = vector.multi_reduction <add>, %slice3A_65, %reduce_sum3A_80 [0] : vector<128x64xf32> to vector<64xf32>
    %broadcast_in_dim3A_82 = vector.shape_cast %reduce_sum3A_81 : vector<64xf32> to vector<1x64xf32>
    %add3A_83 = arith.addf %add3A_64, %broadcast_in_dim3A_82 : vector<1x64xf32>
    %slice3A_84 = vector.extract_strided_slice %convert_element_type3A_14 {offsets = [384, 0], sizes = [128, 64], strides = [1, 1]} : vector<2048x64xf32> to vector<128x64xf32>
    %convert_element_type3A_85 = arith.truncf %slice3A_84 : vector<128x64xf32> to vector<128x64xbf16>
    %dot_general3A_86 = arith.constant dense<0.000000e+00> : vector<128x64xf32>
    %dot_general3A_87 = tpu.matmul %convert_element_type3A_28, %convert_element_type3A_85, %dot_general3A_86 {dimension_numbers = #tpu.dot_dimension_numbers<[1], [0], [0], [1], [0, 0, 1, 1], [], []>, transpose_lhs_hint = false} : vector<128x128xbf16>, vector<128x64xbf16>, vector<128x64xf32> -> vector<128x64xf32>
    %add3A_88 = arith.addf %dot_general3A_22, %add3A_83 : vector<1x64xf32>
    %add3A_89 = vector.broadcast %add3A_88 : vector<1x64xf32> to vector<128x64xf32>
    %add3A_90 = arith.addf %add3A_89, %dot_general3A_87 : vector<128x64xf32>
    %mul3A_91 = arith.mulf %slice3A_84, %add3A_90 : vector<128x64xf32>
    %reduce_sum3A_92 = arith.constant dense<0.000000e+00> : vector<128xf32>
    %reduce_sum3A_93 = vector.multi_reduction <add>, %mul3A_91, %reduce_sum3A_92 [1] : vector<128x64xf32> to vector<128xf32>
    %broadcast_in_dim3A_94 = vector.shape_cast %reduce_sum3A_93 : vector<128xf32> to vector<128x1xf32>
    %convert_element_type3A_95 = arith.fptosi %broadcast_in_dim3A_94 : vector<128x1xf32> to vector<128x1xi32>
    %swap3A_96 = arith.constant 384 : index
    %swap3A_97 = arith.constant 0 : index
    %swap3A_98 = vector.load %arg2[%swap3A_96, %swap3A_97] : memref<2048x1xi32, #tpu.memory_space<vmem>>, vector<128x1xi32>
    tpu.vector_store %arg2[%swap3A_96, %swap3A_97], %convert_element_type3A_95 {strides = array<i32>} : memref<2048x1xi32, #tpu.memory_space<vmem>>, vector<128x1xi32>,
    %reduce_sum3A_99 = arith.constant dense<0.000000e+00> : vector<64xf32>
    %reduce_sum3A_100 = vector.multi_reduction <add>, %slice3A_84, %reduce_sum3A_99 [0] : vector<128x64xf32> to vector<64xf32>
    %broadcast_in_dim3A_101 = vector.shape_cast %reduce_sum3A_100 : vector<64xf32> to vector<1x64xf32>
    %add3A_102 = arith.addf %add3A_83, %broadcast_in_dim3A_101 : vector<1x64xf32>
    %slice3A_103 = vector.extract_strided_slice %convert_element_type3A_14 {offsets = [512, 0], sizes = [128, 64], strides = [1, 1]} : vector<2048x64xf32> to vector<128x64xf32>
    %convert_element_type3A_104 = arith.truncf %slice3A_103 : vector<128x64xf32> to vector<128x64xbf16>
    %dot_general3A_105 = arith.constant dense<0.000000e+00> : vector<128x64xf32>
    %dot_general3A_106 = tpu.matmul %convert_element_type3A_28, %convert_element_type3A_104, %dot_general3A_105 {dimension_numbers = #tpu.dot_dimension_numbers<[1], [0], [0], [1], [0, 0, 1, 1], [], []>, transpose_lhs_hint = false} : vector<128x128xbf16>, vector<128x64xbf16>, vector<128x64xf32> -> vector<128x64xf32>
    %add3A_107 = arith.addf %dot_general3A_22, %add3A_102 : vector<1x64xf32>
    %add3A_108 = vector.broadcast %add3A_107 : vector<1x64xf32> to vector<128x64xf32>
    %add3A_109 = arith.addf %add3A_108, %dot_general3A_106 : vector<128x64xf32>
    %mul3A_110 = arith.mulf %slice3A_103, %add3A_109 : vector<128x64xf32>
    %reduce_sum3A_111 = arith.constant dense<0.000000e+00> : vector<128xf32>
    %reduce_sum3A_112 = vector.multi_reduction <add>, %mul3A_110, %reduce_sum3A_111 [1] : vector<128x64xf32> to vector<128xf32>
    %broadcast_in_dim3A_113 = vector.shape_cast %reduce_sum3A_112 : vector<128xf32> to vector<128x1xf32>
    %convert_element_type3A_114 = arith.fptosi %broadcast_in_dim3A_113 : vector<128x1xf32> to vector<128x1xi32>
    %swap3A_115 = arith.constant 512 : index
    %swap3A_116 = arith.constant 0 : index
    %swap3A_117 = vector.load %arg2[%swap3A_115, %swap3A_116] : memref<2048x1xi32, #tpu.memory_space<vmem>>, vector<128x1xi32>
    tpu.vector_store %arg2[%swap3A_115, %swap3A_116], %convert_element_type3A_114 {strides = array<i32>} : memref<2048x1xi32, #tpu.memory_space<vmem>>, vector<128x1xi32>,
    %reduce_sum3A_118 = arith.constant dense<0.000000e+00> : vector<64xf32>
    %reduce_sum3A_119 = vector.multi_reduction <add>, %slice3A_103, %reduce_sum3A_118 [0] : vector<128x64xf32> to vector<64xf32>
    %broadcast_in_dim3A_120 = vector.shape_cast %reduce_sum3A_119 : vector<64xf32> to vector<1x64xf32>
    %add3A_121 = arith.addf %add3A_102, %broadcast_in_dim3A_120 : vector<1x64xf32>
    %slice3A_122 = vector.extract_strided_slice %convert_element_type3A_14 {offsets = [640, 0], sizes = [128, 64], strides = [1, 1]} : vector<2048x64xf32> to vector<128x64xf32>
    %convert_element_type3A_123 = arith.truncf %slice3A_122 : vector<128x64xf32> to vector<128x64xbf16>
    %dot_general3A_124 = arith.constant dense<0.000000e+00> : vector<128x64xf32>
    %dot_general3A_125 = tpu.matmul %convert_element_type3A_28, %convert_element_type3A_123, %dot_general3A_124 {dimension_numbers = #tpu.dot_dimension_numbers<[1], [0], [0], [1], [0, 0, 1, 1], [], []>, transpose_lhs_hint = false} : vector<128x128xbf16>, vector<128x64xbf16>, vector<128x64xf32> -> vector<128x64xf32>
    %add3A_126 = arith.addf %dot_general3A_22, %add3A_121 : vector<1x64xf32>
    %add3A_127 = vector.broadcast %add3A_126 : vector<1x64xf32> to vector<128x64xf32>
    %add3A_128 = arith.addf %add3A_127, %dot_general3A_125 : vector<128x64xf32>
    %mul3A_129 = arith.mulf %slice3A_122, %add3A_128 : vector<128x64xf32>
    %reduce_sum3A_130 = arith.constant dense<0.000000e+00> : vector<128xf32>
    %reduce_sum3A_131 = vector.multi_reduction <add>, %mul3A_129, %reduce_sum3A_130 [1] : vector<128x64xf32> to vector<128xf32>
    %broadcast_in_dim3A_132 = vector.shape_cast %reduce_sum3A_131 : vector<128xf32> to vector<128x1xf32>
    %convert_element_type3A_133 = arith.fptosi %broadcast_in_dim3A_132 : vector<128x1xf32> to vector<128x1xi32>
    %swap3A_134 = arith.constant 640 : index
    %swap3A_135 = arith.constant 0 : index
    %swap3A_136 = vector.load %arg2[%swap3A_134, %swap3A_135] : memref<2048x1xi32, #tpu.memory_space<vmem>>, vector<128x1xi32>
    tpu.vector_store %arg2[%swap3A_134, %swap3A_135], %convert_element_type3A_133 {strides = array<i32>} : memref<2048x1xi32, #tpu.memory_space<vmem>>, vector<128x1xi32>,
    %reduce_sum3A_137 = arith.constant dense<0.000000e+00> : vector<64xf32>
    %reduce_sum3A_138 = vector.multi_reduction <add>, %slice3A_122, %reduce_sum3A_137 [0] : vector<128x64xf32> to vector<64xf32>
    %broadcast_in_dim3A_139 = vector.shape_cast %reduce_sum3A_138 : vector<64xf32> to vector<1x64xf32>
    %add3A_140 = arith.addf %add3A_121, %broadcast_in_dim3A_139 : vector<1x64xf32>
    %slice3A_141 = vector.extract_strided_slice %convert_element_type3A_14 {offsets = [768, 0], sizes = [128, 64], strides = [1, 1]} : vector<2048x64xf32> to vector<128x64xf32>
    %convert_element_type3A_142 = arith.truncf %slice3A_141 : vector<128x64xf32> to vector<128x64xbf16>
    %dot_general3A_143 = arith.constant dense<0.000000e+00> : vector<128x64xf32>
    %dot_general3A_144 = tpu.matmul %convert_element_type3A_28, %convert_element_type3A_142, %dot_general3A_143 {dimension_numbers = #tpu.dot_dimension_numbers<[1], [0], [0], [1], [0, 0, 1, 1], [], []>, transpose_lhs_hint = false} : vector<128x128xbf16>, vector<128x64xbf16>, vector<128x64xf32> -> vector<128x64xf32>
    %add3A_145 = arith.addf %dot_general3A_22, %add3A_140 : vector<1x64xf32>
    %add3A_146 = vector.broadcast %add3A_145 : vector<1x64xf32> to vector<128x64xf32>
    %add3A_147 = arith.addf %add3A_146, %dot_general3A_144 : vector<128x64xf32>
    %mul3A_148 = arith.mulf %slice3A_141, %add3A_147 : vector<128x64xf32>
    %reduce_sum3A_149 = arith.constant dense<0.000000e+00> : vector<128xf32>
    %reduce_sum3A_150 = vector.multi_reduction <add>, %mul3A_148, %reduce_sum3A_149 [1] : vector<128x64xf32> to vector<128xf32>
    %broadcast_in_dim3A_151 = vector.shape_cast %reduce_sum3A_150 : vector<128xf32> to vector<128x1xf32>
    %convert_element_type3A_152 = arith.fptosi %broadcast_in_dim3A_151 : vector<128x1xf32> to vector<128x1xi32>
    %swap3A_153 = arith.constant 768 : index
    %swap3A_154 = arith.constant 0 : index
    %swap3A_155 = vector.load %arg2[%swap3A_153, %swap3A_154] : memref<2048x1xi32, #tpu.memory_space<vmem>>, vector<128x1xi32>
    tpu.vector_store %arg2[%swap3A_153, %swap3A_154], %convert_element_type3A_152 {strides = array<i32>} : memref<2048x1xi32, #tpu.memory_space<vmem>>, vector<128x1xi32>,
    %reduce_sum3A_156 = arith.constant dense<0.000000e+00> : vector<64xf32>
    %reduce_sum3A_157 = vector.multi_reduction <add>, %slice3A_141, %reduce_sum3A_156 [0] : vector<128x64xf32> to vector<64xf32>
    %broadcast_in_dim3A_158 = vector.shape_cast %reduce_sum3A_157 : vector<64xf32> to vector<1x64xf32>
    %add3A_159 = arith.addf %add3A_140, %broadcast_in_dim3A_158 : vector<1x64xf32>
    %slice3A_160 = vector.extract_strided_slice %convert_element_type3A_14 {offsets = [896, 0], sizes = [128, 64], strides = [1, 1]} : vector<2048x64xf32> to vector<128x64xf32>
    %convert_element_type3A_161 = arith.truncf %slice3A_160 : vector<128x64xf32> to vector<128x64xbf16>
    %dot_general3A_162 = arith.constant dense<0.000000e+00> : vector<128x64xf32>
    %dot_general3A_163 = tpu.matmul %convert_element_type3A_28, %convert_element_type3A_161, %dot_general3A_162 {dimension_numbers = #tpu.dot_dimension_numbers<[1], [0], [0], [1], [0, 0, 1, 1], [], []>, transpose_lhs_hint = false} : vector<128x128xbf16>, vector<128x64xbf16>, vector<128x64xf32> -> vector<128x64xf32>
    %add3A_164 = arith.addf %dot_general3A_22, %add3A_159 : vector<1x64xf32>
    %add3A_165 = vector.broadcast %add3A_164 : vector<1x64xf32> to vector<128x64xf32>
    %add3A_166 = arith.addf %add3A_165, %dot_general3A_163 : vector<128x64xf32>
    %mul3A_167 = arith.mulf %slice3A_160, %add3A_166 : vector<128x64xf32>
    %reduce_sum3A_168 = arith.constant dense<0.000000e+00> : vector<128xf32>
    %reduce_sum3A_169 = vector.multi_reduction <add>, %mul3A_167, %reduce_sum3A_168 [1] : vector<128x64xf32> to vector<128xf32>
    %broadcast_in_dim3A_170 = vector.shape_cast %reduce_sum3A_169 : vector<128xf32> to vector<128x1xf32>
    %convert_element_type3A_171 = arith.fptosi %broadcast_in_dim3A_170 : vector<128x1xf32> to vector<128x1xi32>
    %swap3A_172 = arith.constant 896 : index
    %swap3A_173 = arith.constant 0 : index
    %swap3A_174 = vector.load %arg2[%swap3A_172, %swap3A_173] : memref<2048x1xi32, #tpu.memory_space<vmem>>, vector<128x1xi32>
    tpu.vector_store %arg2[%swap3A_172, %swap3A_173], %convert_element_type3A_171 {strides = array<i32>} : memref<2048x1xi32, #tpu.memory_space<vmem>>, vector<128x1xi32>,
    %reduce_sum3A_175 = arith.constant dense<0.000000e+00> : vector<64xf32>
    %reduce_sum3A_176 = vector.multi_reduction <add>, %slice3A_160, %reduce_sum3A_175 [0] : vector<128x64xf32> to vector<64xf32>
    %broadcast_in_dim3A_177 = vector.shape_cast %reduce_sum3A_176 : vector<64xf32> to vector<1x64xf32>
    %add3A_178 = arith.addf %add3A_159, %broadcast_in_dim3A_177 : vector<1x64xf32>
    %slice3A_179 = vector.extract_strided_slice %convert_element_type3A_14 {offsets = [1024, 0], sizes = [128, 64], strides = [1, 1]} : vector<2048x64xf32> to vector<128x64xf32>
    %convert_element_type3A_180 = arith.truncf %slice3A_179 : vector<128x64xf32> to vector<128x64xbf16>
    %dot_general3A_181 = arith.constant dense<0.000000e+00> : vector<128x64xf32>
    %dot_general3A_182 = tpu.matmul %convert_element_type3A_28, %convert_element_type3A_180, %dot_general3A_181 {dimension_numbers = #tpu.dot_dimension_numbers<[1], [0], [0], [1], [0, 0, 1, 1], [], []>, transpose_lhs_hint = false} : vector<128x128xbf16>, vector<128x64xbf16>, vector<128x64xf32> -> vector<128x64xf32>
    %add3A_183 = arith.addf %dot_general3A_22, %add3A_178 : vector<1x64xf32>
    %add3A_184 = vector.broadcast %add3A_183 : vector<1x64xf32> to vector<128x64xf32>
    %add3A_185 = arith.addf %add3A_184, %dot_general3A_182 : vector<128x64xf32>
    %mul3A_186 = arith.mulf %slice3A_179, %add3A_185 : vector<128x64xf32>
    %reduce_sum3A_187 = arith.constant dense<0.000000e+00> : vector<128xf32>
    %reduce_sum3A_188 = vector.multi_reduction <add>, %mul3A_186, %reduce_sum3A_187 [1] : vector<128x64xf32> to vector<128xf32>
    %broadcast_in_dim3A_189 = vector.shape_cast %reduce_sum3A_188 : vector<128xf32> to vector<128x1xf32>
    %convert_element_type3A_190 = arith.fptosi %broadcast_in_dim3A_189 : vector<128x1xf32> to vector<128x1xi32>
    %swap3A_191 = arith.constant 1024 : index
    %swap3A_192 = arith.constant 0 : index
    %swap3A_193 = vector.load %arg2[%swap3A_191, %swap3A_192] : memref<2048x1xi32, #tpu.memory_space<vmem>>, vector<128x1xi32>
    tpu.vector_store %arg2[%swap3A_191, %swap3A_192], %convert_element_type3A_190 {strides = array<i32>} : memref<2048x1xi32, #tpu.memory_space<vmem>>, vector<128x1xi32>,
    %reduce_sum3A_194 = arith.constant dense<0.000000e+00> : vector<64xf32>
    %reduce_sum3A_195 = vector.multi_reduction <add>, %slice3A_179, %reduce_sum3A_194 [0] : vector<128x64xf32> to vector<64xf32>
    %broadcast_in_dim3A_196 = vector.shape_cast %reduce_sum3A_195 : vector<64xf32> to vector<1x64xf32>
    %add3A_197 = arith.addf %add3A_178, %broadcast_in_dim3A_196 : vector<1x64xf32>
    %slice3A_198 = vector.extract_strided_slice %convert_element_type3A_14 {offsets = [1152, 0], sizes = [128, 64], strides = [1, 1]} : vector<2048x64xf32> to vector<128x64xf32>
    %convert_element_type3A_199 = arith.truncf %slice3A_198 : vector<128x64xf32> to vector<128x64xbf16>
    %dot_general3A_200 = arith.constant dense<0.000000e+00> : vector<128x64xf32>
    %dot_general3A_201 = tpu.matmul %convert_element_type3A_28, %convert_element_type3A_199, %dot_general3A_200 {dimension_numbers = #tpu.dot_dimension_numbers<[1], [0], [0], [1], [0, 0, 1, 1], [], []>, transpose_lhs_hint = false} : vector<128x128xbf16>, vector<128x64xbf16>, vector<128x64xf32> -> vector<128x64xf32>
    %add3A_202 = arith.addf %dot_general3A_22, %add3A_197 : vector<1x64xf32>
    %add3A_203 = vector.broadcast %add3A_202 : vector<1x64xf32> to vector<128x64xf32>
    %add3A_204 = arith.addf %add3A_203, %dot_general3A_201 : vector<128x64xf32>
    %mul3A_205 = arith.mulf %slice3A_198, %add3A_204 : vector<128x64xf32>
    %reduce_sum3A_206 = arith.constant dense<0.000000e+00> : vector<128xf32>
    %reduce_sum3A_207 = vector.multi_reduction <add>, %mul3A_205, %reduce_sum3A_206 [1] : vector<128x64xf32> to vector<128xf32>
    %broadcast_in_dim3A_208 = vector.shape_cast %reduce_sum3A_207 : vector<128xf32> to vector<128x1xf32>
    %convert_element_type3A_209 = arith.fptosi %broadcast_in_dim3A_208 : vector<128x1xf32> to vector<128x1xi32>
    %swap3A_210 = arith.constant 1152 : index
    %swap3A_211 = arith.constant 0 : index
    %swap3A_212 = vector.load %arg2[%swap3A_210, %swap3A_211] : memref<2048x1xi32, #tpu.memory_space<vmem>>, vector<128x1xi32>
    tpu.vector_store %arg2[%swap3A_210, %swap3A_211], %convert_element_type3A_209 {strides = array<i32>} : memref<2048x1xi32, #tpu.memory_space<vmem>>, vector<128x1xi32>,
    %reduce_sum3A_213 = arith.constant dense<0.000000e+00> : vector<64xf32>
    %reduce_sum3A_214 = vector.multi_reduction <add>, %slice3A_198, %reduce_sum3A_213 [0] : vector<128x64xf32> to vector<64xf32>
    %broadcast_in_dim3A_215 = vector.shape_cast %reduce_sum3A_214 : vector<64xf32> to vector<1x64xf32>
    %add3A_216 = arith.addf %add3A_197, %broadcast_in_dim3A_215 : vector<1x64xf32>
    %slice3A_217 = vector.extract_strided_slice %convert_element_type3A_14 {offsets = [1280, 0], sizes = [128, 64], strides = [1, 1]} : vector<2048x64xf32> to vector<128x64xf32>
    %convert_element_type3A_218 = arith.truncf %slice3A_217 : vector<128x64xf32> to vector<128x64xbf16>
    %dot_general3A_219 = arith.constant dense<0.000000e+00> : vector<128x64xf32>
    %dot_general3A_220 = tpu.matmul %convert_element_type3A_28, %convert_element_type3A_218, %dot_general3A_219 {dimension_numbers = #tpu.dot_dimension_numbers<[1], [0], [0], [1], [0, 0, 1, 1], [], []>, transpose_lhs_hint = false} : vector<128x128xbf16>, vector<128x64xbf16>, vector<128x64xf32> -> vector<128x64xf32>
    %add3A_221 = arith.addf %dot_general3A_22, %add3A_216 : vector<1x64xf32>
    %add3A_222 = vector.broadcast %add3A_221 : vector<1x64xf32> to vector<128x64xf32>
    %add3A_223 = arith.addf %add3A_222, %dot_general3A_220 : vector<128x64xf32>
    %mul3A_224 = arith.mulf %slice3A_217, %add3A_223 : vector<128x64xf32>
    %reduce_sum3A_225 = arith.constant dense<0.000000e+00> : vector<128xf32>
    %reduce_sum3A_226 = vector.multi_reduction <add>, %mul3A_224, %reduce_sum3A_225 [1] : vector<128x64xf32> to vector<128xf32>
    %broadcast_in_dim3A_227 = vector.shape_cast %reduce_sum3A_226 : vector<128xf32> to vector<128x1xf32>
    %convert_element_type3A_228 = arith.fptosi %broadcast_in_dim3A_227 : vector<128x1xf32> to vector<128x1xi32>
    %swap3A_229 = arith.constant 1280 : index
    %swap3A_230 = arith.constant 0 : index
    %swap3A_231 = vector.load %arg2[%swap3A_229, %swap3A_230] : memref<2048x1xi32, #tpu.memory_space<vmem>>, vector<128x1xi32>
    tpu.vector_store %arg2[%swap3A_229, %swap3A_230], %convert_element_type3A_228 {strides = array<i32>} : memref<2048x1xi32, #tpu.memory_space<vmem>>, vector<128x1xi32>,
    %reduce_sum3A_232 = arith.constant dense<0.000000e+00> : vector<64xf32>
    %reduce_sum3A_233 = vector.multi_reduction <add>, %slice3A_217, %reduce_sum3A_232 [0] : vector<128x64xf32> to vector<64xf32>
    %broadcast_in_dim3A_234 = vector.shape_cast %reduce_sum3A_233 : vector<64xf32> to vector<1x64xf32>
    %add3A_235 = arith.addf %add3A_216, %broadcast_in_dim3A_234 : vector<1x64xf32>
    %slice3A_236 = vector.extract_strided_slice %convert_element_type3A_14 {offsets = [1408, 0], sizes = [128, 64], strides = [1, 1]} : vector<2048x64xf32> to vector<128x64xf32>
    %convert_element_type3A_237 = arith.truncf %slice3A_236 : vector<128x64xf32> to vector<128x64xbf16>
    %dot_general3A_238 = arith.constant dense<0.000000e+00> : vector<128x64xf32>
    %dot_general3A_239 = tpu.matmul %convert_element_type3A_28, %convert_element_type3A_237, %dot_general3A_238 {dimension_numbers = #tpu.dot_dimension_numbers<[1], [0], [0], [1], [0, 0, 1, 1], [], []>, transpose_lhs_hint = false} : vector<128x128xbf16>, vector<128x64xbf16>, vector<128x64xf32> -> vector<128x64xf32>
    %add3A_240 = arith.addf %dot_general3A_22, %add3A_235 : vector<1x64xf32>
    %add3A_241 = vector.broadcast %add3A_240 : vector<1x64xf32> to vector<128x64xf32>
    %add3A_242 = arith.addf %add3A_241, %dot_general3A_239 : vector<128x64xf32>
    %mul3A_243 = arith.mulf %slice3A_236, %add3A_242 : vector<128x64xf32>
    %reduce_sum3A_244 = arith.constant dense<0.000000e+00> : vector<128xf32>
    %reduce_sum3A_245 = vector.multi_reduction <add>, %mul3A_243, %reduce_sum3A_244 [1] : vector<128x64xf32> to vector<128xf32>
    %broadcast_in_dim3A_246 = vector.shape_cast %reduce_sum3A_245 : vector<128xf32> to vector<128x1xf32>
    %convert_element_type3A_247 = arith.fptosi %broadcast_in_dim3A_246 : vector<128x1xf32> to vector<128x1xi32>
    %swap3A_248 = arith.constant 1408 : index
    %swap3A_249 = arith.constant 0 : index
    %swap3A_250 = vector.load %arg2[%swap3A_248, %swap3A_249] : memref<2048x1xi32, #tpu.memory_space<vmem>>, vector<128x1xi32>
    tpu.vector_store %arg2[%swap3A_248, %swap3A_249], %convert_element_type3A_247 {strides = array<i32>} : memref<2048x1xi32, #tpu.memory_space<vmem>>, vector<128x1xi32>,
    %reduce_sum3A_251 = arith.constant dense<0.000000e+00> : vector<64xf32>
    %reduce_sum3A_252 = vector.multi_reduction <add>, %slice3A_236, %reduce_sum3A_251 [0] : vector<128x64xf32> to vector<64xf32>
    %broadcast_in_dim3A_253 = vector.shape_cast %reduce_sum3A_252 : vector<64xf32> to vector<1x64xf32>
    %add3A_254 = arith.addf %add3A_235, %broadcast_in_dim3A_253 : vector<1x64xf32>
    %slice3A_255 = vector.extract_strided_slice %convert_element_type3A_14 {offsets = [1536, 0], sizes = [128, 64], strides = [1, 1]} : vector<2048x64xf32> to vector<128x64xf32>
    %convert_element_type3A_256 = arith.truncf %slice3A_255 : vector<128x64xf32> to vector<128x64xbf16>
    %dot_general3A_257 = arith.constant dense<0.000000e+00> : vector<128x64xf32>
    %dot_general3A_258 = tpu.matmul %convert_element_type3A_28, %convert_element_type3A_256, %dot_general3A_257 {dimension_numbers = #tpu.dot_dimension_numbers<[1], [0], [0], [1], [0, 0, 1, 1], [], []>, transpose_lhs_hint = false} : vector<128x128xbf16>, vector<128x64xbf16>, vector<128x64xf32> -> vector<128x64xf32>
    %add3A_259 = arith.addf %dot_general3A_22, %add3A_254 : vector<1x64xf32>
    %add3A_260 = vector.broadcast %add3A_259 : vector<1x64xf32> to vector<128x64xf32>
    %add3A_261 = arith.addf %add3A_260, %dot_general3A_258 : vector<128x64xf32>
    %mul3A_262 = arith.mulf %slice3A_255, %add3A_261 : vector<128x64xf32>
    %reduce_sum3A_263 = arith.constant dense<0.000000e+00> : vector<128xf32>
    %reduce_sum3A_264 = vector.multi_reduction <add>, %mul3A_262, %reduce_sum3A_263 [1] : vector<128x64xf32> to vector<128xf32>
    %broadcast_in_dim3A_265 = vector.shape_cast %reduce_sum3A_264 : vector<128xf32> to vector<128x1xf32>
    %convert_element_type3A_266 = arith.fptosi %broadcast_in_dim3A_265 : vector<128x1xf32> to vector<128x1xi32>
    %swap3A_267 = arith.constant 1536 : index
    %swap3A_268 = arith.constant 0 : index
    %swap3A_269 = vector.load %arg2[%swap3A_267, %swap3A_268] : memref<2048x1xi32, #tpu.memory_space<vmem>>, vector<128x1xi32>
    tpu.vector_store %arg2[%swap3A_267, %swap3A_268], %convert_element_type3A_266 {strides = array<i32>} : memref<2048x1xi32, #tpu.memory_space<vmem>>, vector<128x1xi32>,
    %reduce_sum3A_270 = arith.constant dense<0.000000e+00> : vector<64xf32>
    %reduce_sum3A_271 = vector.multi_reduction <add>, %slice3A_255, %reduce_sum3A_270 [0] : vector<128x64xf32> to vector<64xf32>
    %broadcast_in_dim3A_272 = vector.shape_cast %reduce_sum3A_271 : vector<64xf32> to vector<1x64xf32>
    %add3A_273 = arith.addf %add3A_254, %broadcast_in_dim3A_272 : vector<1x64xf32>
    %slice3A_274 = vector.extract_strided_slice %convert_element_type3A_14 {offsets = [1664, 0], sizes = [128, 64], strides = [1, 1]} : vector<2048x64xf32> to vector<128x64xf32>
    %convert_element_type3A_275 = arith.truncf %slice3A_274 : vector<128x64xf32> to vector<128x64xbf16>
    %dot_general3A_276 = arith.constant dense<0.000000e+00> : vector<128x64xf32>
    %dot_general3A_277 = tpu.matmul %convert_element_type3A_28, %convert_element_type3A_275, %dot_general3A_276 {dimension_numbers = #tpu.dot_dimension_numbers<[1], [0], [0], [1], [0, 0, 1, 1], [], []>, transpose_lhs_hint = false} : vector<128x128xbf16>, vector<128x64xbf16>, vector<128x64xf32> -> vector<128x64xf32>
    %add3A_278 = arith.addf %dot_general3A_22, %add3A_273 : vector<1x64xf32>
    %add3A_279 = vector.broadcast %add3A_278 : vector<1x64xf32> to vector<128x64xf32>
    %add3A_280 = arith.addf %add3A_279, %dot_general3A_277 : vector<128x64xf32>
    %mul3A_281 = arith.mulf %slice3A_274, %add3A_280 : vector<128x64xf32>
    %reduce_sum3A_282 = arith.constant dense<0.000000e+00> : vector<128xf32>
    %reduce_sum3A_283 = vector.multi_reduction <add>, %mul3A_281, %reduce_sum3A_282 [1] : vector<128x64xf32> to vector<128xf32>
    %broadcast_in_dim3A_284 = vector.shape_cast %reduce_sum3A_283 : vector<128xf32> to vector<128x1xf32>
    %convert_element_type3A_285 = arith.fptosi %broadcast_in_dim3A_284 : vector<128x1xf32> to vector<128x1xi32>
    %swap3A_286 = arith.constant 1664 : index
    %swap3A_287 = arith.constant 0 : index
    %swap3A_288 = vector.load %arg2[%swap3A_286, %swap3A_287] : memref<2048x1xi32, #tpu.memory_space<vmem>>, vector<128x1xi32>
    tpu.vector_store %arg2[%swap3A_286, %swap3A_287], %convert_element_type3A_285 {strides = array<i32>} : memref<2048x1xi32, #tpu.memory_space<vmem>>, vector<128x1xi32>,
    %reduce_sum3A_289 = arith.constant dense<0.000000e+00> : vector<64xf32>
    %reduce_sum3A_290 = vector.multi_reduction <add>, %slice3A_274, %reduce_sum3A_289 [0] : vector<128x64xf32> to vector<64xf32>
    %broadcast_in_dim3A_291 = vector.shape_cast %reduce_sum3A_290 : vector<64xf32> to vector<1x64xf32>
    %add3A_292 = arith.addf %add3A_273, %broadcast_in_dim3A_291 : vector<1x64xf32>
    %slice3A_293 = vector.extract_strided_slice %convert_element_type3A_14 {offsets = [1792, 0], sizes = [128, 64], strides = [1, 1]} : vector<2048x64xf32> to vector<128x64xf32>
    %convert_element_type3A_294 = arith.truncf %slice3A_293 : vector<128x64xf32> to vector<128x64xbf16>
    %dot_general3A_295 = arith.constant dense<0.000000e+00> : vector<128x64xf32>
    %dot_general3A_296 = tpu.matmul %convert_element_type3A_28, %convert_element_type3A_294, %dot_general3A_295 {dimension_numbers = #tpu.dot_dimension_numbers<[1], [0], [0], [1], [0, 0, 1, 1], [], []>, transpose_lhs_hint = false} : vector<128x128xbf16>, vector<128x64xbf16>, vector<128x64xf32> -> vector<128x64xf32>
    %add3A_297 = arith.addf %dot_general3A_22, %add3A_292 : vector<1x64xf32>
    %add3A_298 = vector.broadcast %add3A_297 : vector<1x64xf32> to vector<128x64xf32>
    %add3A_299 = arith.addf %add3A_298, %dot_general3A_296 : vector<128x64xf32>
    %mul3A_300 = arith.mulf %slice3A_293, %add3A_299 : vector<128x64xf32>
    %reduce_sum3A_301 = arith.constant dense<0.000000e+00> : vector<128xf32>
    %reduce_sum3A_302 = vector.multi_reduction <add>, %mul3A_300, %reduce_sum3A_301 [1] : vector<128x64xf32> to vector<128xf32>
    %broadcast_in_dim3A_303 = vector.shape_cast %reduce_sum3A_302 : vector<128xf32> to vector<128x1xf32>
    %convert_element_type3A_304 = arith.fptosi %broadcast_in_dim3A_303 : vector<128x1xf32> to vector<128x1xi32>
    %swap3A_305 = arith.constant 1792 : index
    %swap3A_306 = arith.constant 0 : index
    %swap3A_307 = vector.load %arg2[%swap3A_305, %swap3A_306] : memref<2048x1xi32, #tpu.memory_space<vmem>>, vector<128x1xi32>
    tpu.vector_store %arg2[%swap3A_305, %swap3A_306], %convert_element_type3A_304 {strides = array<i32>} : memref<2048x1xi32, #tpu.memory_space<vmem>>, vector<128x1xi32>,
    %reduce_sum3A_308 = arith.constant dense<0.000000e+00> : vector<64xf32>
    %reduce_sum3A_309 = vector.multi_reduction <add>, %slice3A_293, %reduce_sum3A_308 [0] : vector<128x64xf32> to vector<64xf32>
    %broadcast_in_dim3A_310 = vector.shape_cast %reduce_sum3A_309 : vector<64xf32> to vector<1x64xf32>
    %add3A_311 = arith.addf %add3A_292, %broadcast_in_dim3A_310 : vector<1x64xf32>
    %slice3A_312 = vector.extract_strided_slice %convert_element_type3A_14 {offsets = [1920, 0], sizes = [128, 64], strides = [1, 1]} : vector<2048x64xf32> to vector<128x64xf32>
    %convert_element_type3A_313 = arith.truncf %slice3A_312 : vector<128x64xf32> to vector<128x64xbf16>
    %dot_general3A_314 = arith.constant dense<0.000000e+00> : vector<128x64xf32>
    %dot_general3A_315 = tpu.matmul %convert_element_type3A_28, %convert_element_type3A_313, %dot_general3A_314 {dimension_numbers = #tpu.dot_dimension_numbers<[1], [0], [0], [1], [0, 0, 1, 1], [], []>, transpose_lhs_hint = false} : vector<128x128xbf16>, vector<128x64xbf16>, vector<128x64xf32> -> vector<128x64xf32>
    %add3A_316 = arith.addf %dot_general3A_22, %add3A_311 : vector<1x64xf32>
    %add3A_317 = vector.broadcast %add3A_316 : vector<1x64xf32> to vector<128x64xf32>
    %add3A_318 = arith.addf %add3A_317, %dot_general3A_315 : vector<128x64xf32>
    %mul3A_319 = arith.mulf %slice3A_312, %add3A_318 : vector<128x64xf32>
    %reduce_sum3A_320 = arith.constant dense<0.000000e+00> : vector<128xf32>
    %reduce_sum3A_321 = vector.multi_reduction <add>, %mul3A_319, %reduce_sum3A_320 [1] : vector<128x64xf32> to vector<128xf32>
    %broadcast_in_dim3A_322 = vector.shape_cast %reduce_sum3A_321 : vector<128xf32> to vector<128x1xf32>
    %convert_element_type3A_323 = arith.fptosi %broadcast_in_dim3A_322 : vector<128x1xf32> to vector<128x1xi32>
    %swap3A_324 = arith.constant 1920 : index
    %swap3A_325 = arith.constant 0 : index
    %swap3A_326 = vector.load %arg2[%swap3A_324, %swap3A_325] : memref<2048x1xi32, #tpu.memory_space<vmem>>, vector<128x1xi32>
    tpu.vector_store %arg2[%swap3A_324, %swap3A_325], %convert_element_type3A_323 {strides = array<i32>} : memref<2048x1xi32, #tpu.memory_space<vmem>>, vector<128x1xi32>,
    %mul3A_327 = arith.constant 7.812500e-03 : f32
    %mul3A_328 = vector.broadcast %mul3A_327 : f32 to vector<1x64xf32>
    %mul3A_329 = arith.mulf %dot_general3A_22, %mul3A_328 : vector<1x64xf32>
    %floor3A = math.floor %mul3A_329 : vector<1x64xf32>
    %add3A_330 = arith.addf %dot_general3A_22, %broadcast_in_dim3A_16 : vector<1x64xf32>
    %sub3A = arith.constant 1.000000e+00 : f32
    %sub3A_331 = vector.broadcast %sub3A : f32 to vector<1x64xf32>
    %sub3A_332 = arith.subf %add3A_330, %sub3A_331 : vector<1x64xf32>
    %mul3A_333 = arith.constant 7.812500e-03 : f32
    %mul3A_334 = vector.broadcast %mul3A_333 : f32 to vector<1x64xf32>
    %mul3A_335 = arith.mulf %sub3A_332, %mul3A_334 : vector<1x64xf32>
    %floor3A_336 = math.floor %mul3A_335 : vector<1x64xf32>
    %gt3A = arith.constant 0.000000e+00 : f32
    %gt3A_337 = vector.broadcast %gt3A : f32 to vector<1x64xf32>
    %gt3A_338 = arith.cmpf ogt, %broadcast_in_dim3A_16, %gt3A_337 : vector<1x64xf32>
    %sub3A_339 = arith.subf %floor3A_336, %floor3A : vector<1x64xf32>
    %add3A_340 = arith.constant 1.000000e+00 : f32
    %add3A_341 = vector.broadcast %add3A_340 : f32 to vector<1x64xf32>
    %add3A_342 = arith.addf %sub3A_339, %add3A_341 : vector<1x64xf32>
    %jit3A_343 = arith.constant 0.000000e+00 : f32
    %broadcast_in_dim3A_344 = vector.broadcast %jit3A_343 : f32 to vector<1x64xf32>
    %select_n3A_345 = arith.select %gt3A_338, %add3A_342, %broadcast_in_dim3A_344 : vector<1x64xi1>, vector<1x64xf32>
    %dot_general3A_346 = arith.constant dense<0.000000e+00> : vector<1x64xf32>
    %dot_general3A_347 = tpu.matmul %select_n3A_345, %convert_element_type3A_20, %dot_general3A_346 {dimension_numbers = #tpu.dot_dimension_numbers<[1], [0], [0], [1], [0, 0, 1, 1], [], []>, precision = #tpu.contract_precision<fp32>, transpose_lhs_hint = false} : vector<1x64xf32>, vector<64x64xf32>, vector<1x64xf32> -> vector<1x64xf32>
    %iota3A_348 = tpu.iota {dimensions = array<i32: 0>} : vector<128x64xi32>
    %convert_element_type3A_349 = arith.sitofp %iota3A_348 : vector<128x64xi32> to vector<128x64xf32>
    %ge3A = vector.broadcast %dot_general3A_347 : vector<1x64xf32> to vector<128x64xf32>
    %ge3A_350 = arith.cmpf oge, %convert_element_type3A_349, %ge3A : vector<128x64xf32>
    %add3A_351 = arith.addf %dot_general3A_347, %select_n3A_345 : vector<1x64xf32>
    %lt3A_352 = vector.broadcast %add3A_351 : vector<1x64xf32> to vector<128x64xf32>
    %lt3A_353 = arith.cmpf olt, %convert_element_type3A_349, %lt3A_352 : vector<128x64xf32>
    %and3A = arith.andi %ge3A_350, %lt3A_353 : vector<128x64xi1>
    %convert_element_type3A_354 = arith.extui %and3A : vector<128x64xi1> to vector<128x64xi32>
    %convert_element_type3A_355 = arith.sitofp %convert_element_type3A_354 : vector<128x64xi32> to vector<128x64xf32>
    %iota3A_356 = tpu.iota {dimensions = array<i32: 1>} : vector<128x64xi32>
    %convert_element_type3A_357 = arith.sitofp %iota3A_356 : vector<128x64xi32> to vector<128x64xf32>
    %mul3A_358 = arith.mulf %convert_element_type3A_355, %convert_element_type3A_357 : vector<128x64xf32>
    %reduce_sum3A_359 = arith.constant dense<0.000000e+00> : vector<128xf32>
    %reduce_sum3A_360 = vector.multi_reduction <add>, %mul3A_358, %reduce_sum3A_359 [1] : vector<128x64xf32> to vector<128xf32>
    %broadcast_in_dim3A_361 = vector.shape_cast %reduce_sum3A_360 : vector<128xf32> to vector<128x1xf32>
    %mul3A_362 = vector.broadcast %dot_general3A_347 : vector<1x64xf32> to vector<128x64xf32>
    %mul3A_363 = arith.mulf %convert_element_type3A_355, %mul3A_362 : vector<128x64xf32>
    %reduce_sum3A_364 = arith.constant dense<0.000000e+00> : vector<128xf32>
    %reduce_sum3A_365 = vector.multi_reduction <add>, %mul3A_363, %reduce_sum3A_364 [1] : vector<128x64xf32> to vector<128xf32>
    %broadcast_in_dim3A_366 = vector.shape_cast %reduce_sum3A_365 : vector<128xf32> to vector<128x1xf32>
    %mul3A_367 = vector.broadcast %dot_general3A_22 : vector<1x64xf32> to vector<128x64xf32>
    %mul3A_368 = arith.mulf %convert_element_type3A_355, %mul3A_367 : vector<128x64xf32>
    %reduce_sum3A_369 = arith.constant dense<0.000000e+00> : vector<128xf32>
    %reduce_sum3A_370 = vector.multi_reduction <add>, %mul3A_368, %reduce_sum3A_369 [1] : vector<128x64xf32> to vector<128xf32>
    %broadcast_in_dim3A_371 = vector.shape_cast %reduce_sum3A_370 : vector<128xf32> to vector<128x1xf32>
    %mul3A_372 = vector.broadcast %broadcast_in_dim3A_16 : vector<1x64xf32> to vector<128x64xf32>
    %mul3A_373 = arith.mulf %convert_element_type3A_355, %mul3A_372 : vector<128x64xf32>
    %reduce_sum3A_374 = arith.constant dense<0.000000e+00> : vector<128xf32>
    %reduce_sum3A_375 = vector.multi_reduction <add>, %mul3A_373, %reduce_sum3A_374 [1] : vector<128x64xf32> to vector<128xf32>
    %broadcast_in_dim3A_376 = vector.shape_cast %reduce_sum3A_375 : vector<128xf32> to vector<128x1xf32>
    %reduce_sum3A_377 = arith.constant dense<0.000000e+00> : vector<128xf32>
    %reduce_sum3A_378 = vector.multi_reduction <add>, %convert_element_type3A_355, %reduce_sum3A_377 [1] : vector<128x64xf32> to vector<128xf32>
    %broadcast_in_dim3A_379 = vector.shape_cast %reduce_sum3A_378 : vector<128xf32> to vector<128x1xf32>
    %gt3A_380 = arith.constant 0.000000e+00 : f32
    %gt3A_381 = vector.broadcast %gt3A_380 : f32 to vector<128x1xf32>
    %gt3A_382 = arith.cmpf ogt, %broadcast_in_dim3A_379, %gt3A_381 : vector<128x1xf32>
    %iota3A_383 = tpu.iota {dimensions = array<i32: 0>} : vector<128x1xi32>
    %convert_element_type3A_384 = arith.sitofp %iota3A_383 : vector<128x1xi32> to vector<128x1xf32>
    %sub3A_385 = arith.subf %convert_element_type3A_384, %broadcast_in_dim3A_366 : vector<128x1xf32>
    %mul3A_386 = arith.constant 7.812500e-03 : f32
    %mul3A_387 = vector.broadcast %mul3A_386 : f32 to vector<128x1xf32>
    %mul3A_388 = arith.mulf %broadcast_in_dim3A_371, %mul3A_387 : vector<128x1xf32>
    %floor3A_389 = math.floor %mul3A_388 : vector<128x1xf32>
    %add3A_390 = arith.addf %floor3A_389, %sub3A_385 : vector<128x1xf32>
    %mul3A_391 = arith.constant 1.280000e+02 : f32
    %mul3A_392 = vector.broadcast %mul3A_391 : f32 to vector<128x1xf32>
    %mul3A_393 = arith.mulf %add3A_390, %mul3A_392 : vector<128x1xf32>
    %max3A = arith.maximumf %broadcast_in_dim3A_371, %mul3A_393 : vector<128x1xf32>
    %mul3A_394 = arith.constant 1.280000e+02 : f32
    %mul3A_395 = vector.broadcast %mul3A_394 : f32 to vector<128x1xf32>
    %mul3A_396 = arith.mulf %add3A_390, %mul3A_395 : vector<128x1xf32>
    %sub3A_397 = arith.subf %max3A, %mul3A_396 : vector<128x1xf32>
    %add3A_398 = arith.addf %broadcast_in_dim3A_371, %broadcast_in_dim3A_376 : vector<128x1xf32>
    %add3A_399 = arith.constant 1.000000e+00 : f32
    %add3A_400 = vector.broadcast %add3A_399 : f32 to vector<128x1xf32>
    %add3A_401 = arith.addf %add3A_390, %add3A_400 : vector<128x1xf32>
    %mul3A_402 = arith.constant 1.280000e+02 : f32
    %mul3A_403 = vector.broadcast %mul3A_402 : f32 to vector<128x1xf32>
    %mul3A_404 = arith.mulf %add3A_401, %mul3A_403 : vector<128x1xf32>
    %min3A = arith.minimumf %add3A_398, %mul3A_404 : vector<128x1xf32>
    %mul3A_405 = arith.constant 1.280000e+02 : f32
    %mul3A_406 = vector.broadcast %mul3A_405 : f32 to vector<128x1xf32>
    %mul3A_407 = arith.mulf %add3A_390, %mul3A_406 : vector<128x1xf32>
    %sub3A_408 = arith.subf %min3A, %mul3A_407 : vector<128x1xf32>
    %jit3A_409 = arith.constant 1.500000e+01 : f32
    %broadcast_in_dim3A_410 = vector.broadcast %jit3A_409 : f32 to vector<128x1xf32>
    %select_n3A_411 = arith.select %gt3A_382, %add3A_390, %broadcast_in_dim3A_410 : vector<128x1xi1>, vector<128x1xf32>
    %jit3A_412 = arith.constant 0.000000e+00 : f32
    %broadcast_in_dim3A_413 = vector.broadcast %jit3A_412 : f32 to vector<128x1xf32>
    %select_n3A_414 = arith.select %gt3A_382, %sub3A_397, %broadcast_in_dim3A_413 : vector<128x1xi1>, vector<128x1xf32>
    %jit3A_415 = arith.constant 0.000000e+00 : f32
    %broadcast_in_dim3A_416 = vector.broadcast %jit3A_415 : f32 to vector<128x1xf32>
    %select_n3A_417 = arith.select %gt3A_382, %sub3A_408, %broadcast_in_dim3A_416 : vector<128x1xi1>, vector<128x1xf32>
    %jit3A_418 = arith.constant 0.000000e+00 : f32
    %broadcast_in_dim3A_419 = vector.broadcast %jit3A_418 : f32 to vector<128x1xf32>
    %select_n3A_420 = arith.select %gt3A_382, %broadcast_in_dim3A_361, %broadcast_in_dim3A_419 : vector<128x1xi1>, vector<128x1xf32>
    %convert_element_type3A_421 = arith.fptosi %select_n3A_411 : vector<128x1xf32> to vector<128x1xi32>
    %broadcast_in_dim3A_422 = arith.constant -1 : i32
    %broadcast_in_dim3A_423 = vector.broadcast %broadcast_in_dim3A_422 : i32 to vector<1x1xi32>
    %slice3A_424 = vector.extract_strided_slice %convert_element_type3A_421 {offsets = [0, 0], sizes = [127, 1], strides = [1, 1]} : vector<128x1xi32> to vector<127x1xi32>
    %concatenate3A = tpu.concatenate %broadcast_in_dim3A_423, %slice3A_424 in 0 : vector<1x1xi32>, vector<127x1xi32> -> vector<128x1xi32>
    %ne3A = arith.cmpi ne, %convert_element_type3A_421, %concatenate3A : vector<128x1xi32>
    %and3A_425 = arith.andi %gt3A_382, %ne3A : vector<128x1xi1>
    %convert_element_type3A_426 = arith.extui %and3A_425 : vector<128x1xi1> to vector<128x1xi32>
    %iota3A_427 = tpu.iota {dimensions = array<i32: 1>} : vector<128x64xi32>
    %iota3A_428 = tpu.iota {dimensions = array<i32: 0>} : vector<128x1xi32>
    %mul3A_429 = arith.constant 16 : i32
    %mul3A_430 = vector.broadcast %mul3A_429 : i32 to vector<128x1xi32>
    %mul3A_431 = arith.muli %iota3A_428, %mul3A_430 : vector<128x1xi32>
    %eq3A_432 = vector.broadcast %mul3A_431 : vector<128x1xi32> to vector<128x64xi32>
    %eq3A_433 = arith.cmpi eq, %iota3A_427, %eq3A_432 : vector<128x64xi32>
    %convert_element_type3A_434 = arith.extui %eq3A_433 : vector<128x64xi1> to vector<128x64xi32>
    %convert_element_type3A_435 = arith.sitofp %convert_element_type3A_434 : vector<128x64xi32> to vector<128x64xf32>
    %mul3A_436 = vector.broadcast %dot_general3A_347 : vector<1x64xf32> to vector<128x64xf32>
    %mul3A_437 = arith.mulf %convert_element_type3A_435, %mul3A_436 : vector<128x64xf32>
    %reduce_sum3A_438 = arith.constant dense<0.000000e+00> : vector<128xf32>
    %reduce_sum3A_439 = vector.multi_reduction <add>, %mul3A_437, %reduce_sum3A_438 [1] : vector<128x64xf32> to vector<128xf32>
    %broadcast_in_dim3A_440 = vector.shape_cast %reduce_sum3A_439 : vector<128xf32> to vector<128x1xf32>
    %eq3A_441 = arith.constant 63 : i32
    %eq3A_442 = vector.broadcast %eq3A_441 : i32 to vector<128x64xi32>
    %eq3A_443 = arith.cmpi eq, %iota3A_427, %eq3A_442 : vector<128x64xi32>
    %convert_element_type3A_444 = arith.extui %eq3A_443 : vector<128x64xi1> to vector<128x64xi32>
    %convert_element_type3A_445 = arith.sitofp %convert_element_type3A_444 : vector<128x64xi32> to vector<128x64xf32>
    %add3A_446 = arith.addf %dot_general3A_347, %select_n3A_345 : vector<1x64xf32>
    %mul3A_447 = vector.broadcast %add3A_446 : vector<1x64xf32> to vector<128x64xf32>
    %mul3A_448 = arith.mulf %convert_element_type3A_445, %mul3A_447 : vector<128x64xf32>
    %reduce_sum3A_449 = arith.constant dense<0.000000e+00> : vector<128xf32>
    %reduce_sum3A_450 = vector.multi_reduction <add>, %mul3A_448, %reduce_sum3A_449 [1] : vector<128x64xf32> to vector<128xf32>
    %broadcast_in_dim3A_451 = vector.shape_cast %reduce_sum3A_450 : vector<128xf32> to vector<128x1xf32>
    %mul3A_452 = arith.constant 16 : i32
    %mul3A_453 = vector.broadcast %mul3A_452 : i32 to vector<128x1xi32>
    %mul3A_454 = arith.muli %iota3A_428, %mul3A_453 : vector<128x1xi32>
    %add3A_455 = arith.constant 16 : i32
    %add3A_456 = vector.broadcast %add3A_455 : i32 to vector<128x1xi32>
    %add3A_457 = arith.addi %mul3A_454, %add3A_456 : vector<128x1xi32>
    %eq3A_458 = vector.broadcast %add3A_457 : vector<128x1xi32> to vector<128x64xi32>
    %eq3A_459 = arith.cmpi eq, %iota3A_427, %eq3A_458 : vector<128x64xi32>
    %convert_element_type3A_460 = arith.extui %eq3A_459 : vector<128x64xi1> to vector<128x64xi32>
    %convert_element_type3A_461 = arith.sitofp %convert_element_type3A_460 : vector<128x64xi32> to vector<128x64xf32>
    %mul3A_462 = vector.broadcast %dot_general3A_347 : vector<1x64xf32> to vector<128x64xf32>
    %mul3A_463 = arith.mulf %convert_element_type3A_461, %mul3A_462 : vector<128x64xf32>
    %reduce_sum3A_464 = arith.constant dense<0.000000e+00> : vector<128xf32>
    %reduce_sum3A_465 = vector.multi_reduction <add>, %mul3A_463, %reduce_sum3A_464 [1] : vector<128x64xf32> to vector<128xf32>
    %broadcast_in_dim3A_466 = vector.shape_cast %reduce_sum3A_465 : vector<128xf32> to vector<128x1xf32>
    %eq3A_467 = arith.constant 3 : i32
    %eq3A_468 = vector.broadcast %eq3A_467 : i32 to vector<128x1xi32>
    %eq3A_469 = arith.cmpi eq, %iota3A_428, %eq3A_468 : vector<128x1xi32>
    %jit3A_470 = arith.constant 0.000000e+00 : f32
    %broadcast_in_dim3A_471 = vector.broadcast %jit3A_470 : f32 to vector<128x1xf32>
    %select_n3A_472 = arith.select %eq3A_469, %broadcast_in_dim3A_451, %broadcast_in_dim3A_471 : vector<128x1xi1>, vector<128x1xf32>
    %add3A_473 = arith.addf %broadcast_in_dim3A_466, %select_n3A_472 : vector<128x1xf32>
    %convert_element_type3A_474 = arith.fptosi %select_n3A_420 : vector<128x1xf32> to vector<128x1xi32>
    %convert_element_type3A_475 = arith.fptosi %select_n3A_414 : vector<128x1xf32> to vector<128x1xi32>
    %convert_element_type3A_476 = arith.fptosi %select_n3A_417 : vector<128x1xf32> to vector<128x1xi32>
    %convert_element_type3A_477 = arith.fptosi %broadcast_in_dim3A_440 : vector<128x1xf32> to vector<128x1xi32>
    %convert_element_type3A_478 = arith.fptosi %add3A_473 : vector<128x1xf32> to vector<128x1xi32>
    %broadcast_in_dim3A_479 = arith.constant 0 : i32
    %broadcast_in_dim3A_480 = vector.broadcast %broadcast_in_dim3A_479 : i32 to vector<128x1xi32>
    %concatenate3A_481 = tpu.concatenate %convert_element_type3A_421, %convert_element_type3A_474, %convert_element_type3A_475, %convert_element_type3A_476, %convert_element_type3A_426, %convert_element_type3A_477, %convert_element_type3A_478, %broadcast_in_dim3A_480 in 1 : vector<128x1xi32>, vector<128x1xi32>, vector<128x1xi32>, vector<128x1xi32>, vector<128x1xi32>, vector<128x1xi32>, vector<128x1xi32>, vector<128x1xi32> -> vector<128x8xi32>
    %swap3A_482 = arith.constant 0 : index
    %swap3A_483 = arith.constant 0 : index
    %swap3A_484 = vector.load %arg3[%swap3A_482, %swap3A_483] : memref<128x8xi32, #tpu.memory_space<vmem>>, vector<128x8xi32>
    tpu.vector_store %arg3[%swap3A_482, %swap3A_483], %concatenate3A_481 {strides = array<i32>} : memref<128x8xi32, #tpu.memory_space<vmem>>, vector<128x8xi32>,
    return
  }
}

module attributes {stable_mosaic.version = 14 : i64} {
  func.func @_ffn_kernel(%arg0: i32, %arg1: memref<128x8xi32, #tpu.memory_space<smem>>, %arg2: memref<64x1xf32, #tpu.memory_space<smem>>, %arg3: memref<2048x768xf32, #tpu.memory_space<vmem>>, %arg4: memref<16x2x64x768xf32, #tpu.memory_space<vmem>>, %arg5: memref<16x64x768xf32, #tpu.memory_space<vmem>>, %arg6: memref<2048x768xf32, #tpu.memory_space<vmem>>, %arg7: memref<2048x768xbf16, #tpu.memory_space<vmem>>) attributes {dimension_semantics = [#tpu.dimension_semantics<arbitrary>], iteration_bounds = array<i64: 4>, scalar_prefetch = 0 : i64, scratch_operands = 1 : i64, tpu.core_type = #tpu.core_type<tc>, window_params = [{transform_indices = @transform_0, window_bounds = array<i64: 128, 8>}, {transform_indices = @transform_1, window_bounds = array<i64: 64, 1>}, {pipeline_mode = #tpu.pipeline_mode<synchronous>, transform_indices = @transform_2, window_bounds = array<i64: 2048, 768>}, {transform_indices = @transform_3, window_bounds = array<i64: 16, 2, 64, 768>}, {transform_indices = @transform_4, window_bounds = array<i64: 16, 64, 768>}, {pipeline_mode = #tpu.pipeline_mode<synchronous>, transform_indices = @transform_5, window_bounds = array<i64: 2048, 768>}]} {
    %eq3A = arith.constant 0 : i32
    %eq3A_0 = arith.cmpi eq, %arg0, %eq3A : i32
    %convert_element_type3A = arith.extui %eq3A_0 : i1 to i32
    %cond3A = arith.constant 0 : i32
    %cond3A_1 = arith.cmpi ne, %convert_element_type3A, %cond3A : i32
    scf.if %cond3A_1 {
      %get3A_16 = arith.constant 0 : index
      %get3A_17 = arith.constant 0 : index
      %get3A_18 = vector.load %arg3[%get3A_16, %get3A_17] : memref<2048x768xf32, #tpu.memory_space<vmem>>, vector<2048x768xf32>
      %convert_element_type3A_19 = arith.truncf %get3A_18 : vector<2048x768xf32> to vector<2048x768xbf16>
      %swap3A = arith.constant 0 : index
      %swap3A_20 = arith.constant 0 : index
      %swap3A_21 = vector.load %arg7[%swap3A, %swap3A_20] : memref<2048x768xbf16, #tpu.memory_space<vmem>>, vector<2048x768xbf16>
      tpu.vector_store %arg7[%swap3A, %swap3A_20], %convert_element_type3A_19 {strides = array<i32>} : memref<2048x768xbf16, #tpu.memory_space<vmem>>, vector<2048x768xbf16>,
    } else {
    }
    %mul3A = arith.constant 16 : i32
    %mul3A_2 = arith.muli %arg0, %mul3A : i32
    %get3A = arith.index_cast %arg0 : i32 to index
    %get3A_3 = arith.constant 5 : index
    %get3A_4 = memref.load %arg1[%get3A, %get3A_3] : memref<128x8xi32, #tpu.memory_space<smem>>
    %get3A_5 = arith.index_cast %arg0 : i32 to index
    %get3A_6 = arith.constant 6 : index
    %get3A_7 = memref.load %arg1[%get3A_5, %get3A_6] : memref<128x8xi32, #tpu.memory_space<smem>>
    %while3A = arith.constant 0 : i32
    %while3A_8 = arith.subi %get3A_7, %get3A_4 : i32
    %while3A_9 = arith.addi %get3A_4, %while3A_8 : i32
    %while3A_10 = arith.constant 1 : i32
    %while3A_11 = arith.divsi %while3A_8, %while3A_10 : i32
    %while3A_12 = arith.muli %while3A_11, %while3A_10 : i32
    %while3A_13 = arith.addi %get3A_4, %while3A_12 : i32
    %while3A_14 = arith.constant 1 : i32
    scf.for %while3A_16 = %get3A_4 to %while3A_13 step %while3A_14  : i32 {
      %get3A_17 = arith.index_cast %while3A_16 : i32 to index
      %get3A_18 = arith.constant 0 : index
      %get3A_19 = memref.load %arg1[%get3A_17, %get3A_18] : memref<128x8xi32, #tpu.memory_space<smem>>
      %get3A_20 = arith.index_cast %while3A_16 : i32 to index
      %get3A_21 = arith.constant 1 : index
      %get3A_22 = memref.load %arg1[%get3A_20, %get3A_21] : memref<128x8xi32, #tpu.memory_space<smem>>
      %get3A_23 = arith.index_cast %while3A_16 : i32 to index
      %get3A_24 = arith.constant 2 : index
      %get3A_25 = memref.load %arg1[%get3A_23, %get3A_24] : memref<128x8xi32, #tpu.memory_space<smem>>
      %get3A_26 = arith.index_cast %while3A_16 : i32 to index
      %get3A_27 = arith.constant 3 : index
      %get3A_28 = memref.load %arg1[%get3A_26, %get3A_27] : memref<128x8xi32, #tpu.memory_space<smem>>
      %get3A_29 = arith.index_cast %while3A_16 : i32 to index
      %get3A_30 = arith.constant 4 : index
      %get3A_31 = memref.load %arg1[%get3A_29, %get3A_30] : memref<128x8xi32, #tpu.memory_space<smem>>
      %sub3A = arith.subi %get3A_22, %mul3A_2 : i32
      %mul3A_32 = arith.constant 128 : i32
      %mul3A_33 = arith.muli %get3A_19, %mul3A_32 : i32
      %get3A_34 = arith.index_cast %mul3A_33 : i32 to index
      %get3A_35 = arith.constant 0 : index
      %get3A_36 = vector.load %arg7[%get3A_34, %get3A_35] : memref<2048x768xbf16, #tpu.memory_space<vmem>>, vector<128x768xbf16>
      %get3A_37 = arith.index_cast %sub3A : i32 to index
      %get3A_38 = arith.constant 0 : index
      %get3A_39 = arith.constant 0 : index
      %get3A_40 = arith.constant 0 : index
      %get3A_41 = vector.load %arg4[%get3A_37, %get3A_38, %get3A_39, %get3A_40] : memref<16x2x64x768xf32, #tpu.memory_space<vmem>>, vector<1x2x64x768xf32>
      %reshape3A = vector.shape_cast %get3A_41 : vector<1x2x64x768xf32> to vector<128x768xf32>
      %convert_element_type3A_42 = arith.truncf %reshape3A : vector<128x768xf32> to vector<128x768xbf16>
      %dot_general3A = arith.constant dense<0.000000e+00> : vector<128x128xf32>
      %dot_general3A_43 = tpu.matmul %get3A_36, %convert_element_type3A_42, %dot_general3A {dimension_numbers = #tpu.dot_dimension_numbers<[1], [1], [0], [0], [0, 0, 1, 0], [], []>, transpose_lhs_hint = false} : vector<128x768xbf16>, vector<128x768xbf16>, vector<128x128xf32> -> vector<128x128xf32>
      %slice3A = vector.extract_strided_slice %dot_general3A_43 {offsets = [0, 0], sizes = [128, 64], strides = [1, 1]} : vector<128x128xf32> to vector<128x64xf32>
      %integer_pow3A = arith.mulf %slice3A, %slice3A : vector<128x64xf32>
      %integer_pow3A_44 = arith.mulf %slice3A, %integer_pow3A : vector<128x64xf32>
      %mul3A_45 = arith.constant 4.471500e-02 : f32
      %mul3A_46 = vector.broadcast %mul3A_45 : f32 to vector<128x64xf32>
      %mul3A_47 = arith.mulf %mul3A_46, %integer_pow3A_44 : vector<128x64xf32>
      %add3A = arith.addf %slice3A, %mul3A_47 : vector<128x64xf32>
      %mul3A_48 = arith.constant 0.797884583 : f32
      %mul3A_49 = vector.broadcast %mul3A_48 : f32 to vector<128x64xf32>
      %mul3A_50 = arith.mulf %mul3A_49, %add3A : vector<128x64xf32>
      %tanh3A = math.tanh %mul3A_50 : vector<128x64xf32>
      %add3A_51 = arith.constant 1.000000e+00 : f32
      %add3A_52 = vector.broadcast %add3A_51 : f32 to vector<128x64xf32>
      %add3A_53 = arith.addf %add3A_52, %tanh3A : vector<128x64xf32>
      %mul3A_54 = arith.constant 5.000000e-01 : f32
      %mul3A_55 = vector.broadcast %mul3A_54 : f32 to vector<128x64xf32>
      %mul3A_56 = arith.mulf %mul3A_55, %add3A_53 : vector<128x64xf32>
      %mul3A_57 = arith.mulf %slice3A, %mul3A_56 : vector<128x64xf32>
      %slice3A_58 = vector.extract_strided_slice %dot_general3A_43 {offsets = [0, 64], sizes = [128, 64], strides = [1, 1]} : vector<128x128xf32> to vector<128x64xf32>
      %mul3A_59 = arith.mulf %mul3A_57, %slice3A_58 : vector<128x64xf32>
      %iota3A = tpu.iota {dimensions = array<i32: 0>} : vector<128x1xi32>
      %ge3A = vector.broadcast %get3A_25 : i32 to vector<128x1xi32>
      %ge3A_60 = arith.cmpi sge, %iota3A, %ge3A : vector<128x1xi32>
      %lt3A = vector.broadcast %get3A_28 : i32 to vector<128x1xi32>
      %lt3A_61 = arith.cmpi slt, %iota3A, %lt3A : vector<128x1xi32>
      %and3A = arith.andi %ge3A_60, %lt3A_61 : vector<128x1xi1>
      %get3A_62 = arith.index_cast %get3A_22 : i32 to index
      %get3A_63 = arith.constant 0 : index
      %get3A_64 = memref.load %arg2[%get3A_62, %get3A_63] : memref<64x1xf32, #tpu.memory_space<smem>>
      %jit3A = arith.constant 0.000000e+00 : f32
      %broadcast_in_dim3A = vector.broadcast %get3A_64 : f32 to vector<128x1xf32>
      %broadcast_in_dim3A_65 = vector.broadcast %jit3A : f32 to vector<128x1xf32>
      %select_n3A = arith.select %and3A, %broadcast_in_dim3A, %broadcast_in_dim3A_65 : vector<128x1xi1>, vector<128x1xf32>
      %mul3A_66 = vector.broadcast %select_n3A : vector<128x1xf32> to vector<128x64xf32>
      %mul3A_67 = arith.mulf %mul3A_59, %mul3A_66 : vector<128x64xf32>
      %get3A_68 = arith.index_cast %sub3A : i32 to index
      %get3A_69 = arith.constant 0 : index
      %get3A_70 = arith.constant 0 : index
      %get3A_71 = vector.load %arg5[%get3A_68, %get3A_69, %get3A_70] : memref<16x64x768xf32, #tpu.memory_space<vmem>>, vector<1x64x768xf32>
      %reshape3A_72 = vector.shape_cast %get3A_71 : vector<1x64x768xf32> to vector<64x768xf32>
      %convert_element_type3A_73 = arith.truncf %reshape3A_72 : vector<64x768xf32> to vector<64x768xbf16>
      %convert_element_type3A_74 = arith.truncf %mul3A_67 : vector<128x64xf32> to vector<128x64xbf16>
      %dot_general3A_75 = arith.constant dense<0.000000e+00> : vector<128x768xf32>
      %dot_general3A_76 = tpu.matmul %convert_element_type3A_74, %convert_element_type3A_73, %dot_general3A_75 {dimension_numbers = #tpu.dot_dimension_numbers<[1], [0], [0], [1], [0, 0, 1, 1], [], []>, transpose_lhs_hint = false} : vector<128x64xbf16>, vector<64x768xbf16>, vector<128x768xf32> -> vector<128x768xf32>
      %mul3A_77 = arith.constant 128 : i32
      %mul3A_78 = arith.muli %get3A_19, %mul3A_77 : i32
      %get3A_79 = arith.index_cast %mul3A_78 : i32 to index
      %get3A_80 = arith.constant 0 : index
      %get3A_81 = vector.load %arg6[%get3A_79, %get3A_80] : memref<2048x768xf32, #tpu.memory_space<vmem>>, vector<128x768xf32>
      %eq3A_82 = arith.constant 1 : i32
      %eq3A_83 = arith.cmpi eq, %get3A_31, %eq3A_82 : i32
      %add3A_84 = arith.addf %get3A_81, %dot_general3A_76 : vector<128x768xf32>
      %select_n3A_85 = arith.select %eq3A_83, %dot_general3A_76, %add3A_84 : vector<128x768xf32>
      %mul3A_86 = arith.constant 128 : i32
      %mul3A_87 = arith.muli %get3A_19, %mul3A_86 : i32
      %swap3A = arith.index_cast %mul3A_87 : i32 to index
      %swap3A_88 = arith.constant 0 : index
      %swap3A_89 = vector.load %arg6[%swap3A, %swap3A_88] : memref<2048x768xf32, #tpu.memory_space<vmem>>, vector<128x768xf32>
      tpu.vector_store %arg6[%swap3A, %swap3A_88], %select_n3A_85 {strides = array<i32>} : memref<2048x768xf32, #tpu.memory_space<vmem>>, vector<128x768xf32>,
    }
    %while3A_15 = arith.constant 1 : i32
    scf.for %while3A_16 = %while3A_13 to %while3A_9 step %while3A_15  : i32 {
      %get3A_17 = arith.index_cast %while3A_16 : i32 to index
      %get3A_18 = arith.constant 0 : index
      %get3A_19 = memref.load %arg1[%get3A_17, %get3A_18] : memref<128x8xi32, #tpu.memory_space<smem>>
      %get3A_20 = arith.index_cast %while3A_16 : i32 to index
      %get3A_21 = arith.constant 1 : index
      %get3A_22 = memref.load %arg1[%get3A_20, %get3A_21] : memref<128x8xi32, #tpu.memory_space<smem>>
      %get3A_23 = arith.index_cast %while3A_16 : i32 to index
      %get3A_24 = arith.constant 2 : index
      %get3A_25 = memref.load %arg1[%get3A_23, %get3A_24] : memref<128x8xi32, #tpu.memory_space<smem>>
      %get3A_26 = arith.index_cast %while3A_16 : i32 to index
      %get3A_27 = arith.constant 3 : index
      %get3A_28 = memref.load %arg1[%get3A_26, %get3A_27] : memref<128x8xi32, #tpu.memory_space<smem>>
      %get3A_29 = arith.index_cast %while3A_16 : i32 to index
      %get3A_30 = arith.constant 4 : index
      %get3A_31 = memref.load %arg1[%get3A_29, %get3A_30] : memref<128x8xi32, #tpu.memory_space<smem>>
      %sub3A = arith.subi %get3A_22, %mul3A_2 : i32
      %mul3A_32 = arith.constant 128 : i32
      %mul3A_33 = arith.muli %get3A_19, %mul3A_32 : i32
      %get3A_34 = arith.index_cast %mul3A_33 : i32 to index
      %get3A_35 = arith.constant 0 : index
      %get3A_36 = vector.load %arg7[%get3A_34, %get3A_35] : memref<2048x768xbf16, #tpu.memory_space<vmem>>, vector<128x768xbf16>
      %get3A_37 = arith.index_cast %sub3A : i32 to index
      %get3A_38 = arith.constant 0 : index
      %get3A_39 = arith.constant 0 : index
      %get3A_40 = arith.constant 0 : index
      %get3A_41 = vector.load %arg4[%get3A_37, %get3A_38, %get3A_39, %get3A_40] : memref<16x2x64x768xf32, #tpu.memory_space<vmem>>, vector<1x2x64x768xf32>
      %reshape3A = vector.shape_cast %get3A_41 : vector<1x2x64x768xf32> to vector<128x768xf32>
      %convert_element_type3A_42 = arith.truncf %reshape3A : vector<128x768xf32> to vector<128x768xbf16>
      %dot_general3A = arith.constant dense<0.000000e+00> : vector<128x128xf32>
      %dot_general3A_43 = tpu.matmul %get3A_36, %convert_element_type3A_42, %dot_general3A {dimension_numbers = #tpu.dot_dimension_numbers<[1], [1], [0], [0], [0, 0, 1, 0], [], []>, transpose_lhs_hint = false} : vector<128x768xbf16>, vector<128x768xbf16>, vector<128x128xf32> -> vector<128x128xf32>
      %slice3A = vector.extract_strided_slice %dot_general3A_43 {offsets = [0, 0], sizes = [128, 64], strides = [1, 1]} : vector<128x128xf32> to vector<128x64xf32>
      %integer_pow3A = arith.mulf %slice3A, %slice3A : vector<128x64xf32>
      %integer_pow3A_44 = arith.mulf %slice3A, %integer_pow3A : vector<128x64xf32>
      %mul3A_45 = arith.constant 4.471500e-02 : f32
      %mul3A_46 = vector.broadcast %mul3A_45 : f32 to vector<128x64xf32>
      %mul3A_47 = arith.mulf %mul3A_46, %integer_pow3A_44 : vector<128x64xf32>
      %add3A = arith.addf %slice3A, %mul3A_47 : vector<128x64xf32>
      %mul3A_48 = arith.constant 0.797884583 : f32
      %mul3A_49 = vector.broadcast %mul3A_48 : f32 to vector<128x64xf32>
      %mul3A_50 = arith.mulf %mul3A_49, %add3A : vector<128x64xf32>
      %tanh3A = math.tanh %mul3A_50 : vector<128x64xf32>
      %add3A_51 = arith.constant 1.000000e+00 : f32
      %add3A_52 = vector.broadcast %add3A_51 : f32 to vector<128x64xf32>
      %add3A_53 = arith.addf %add3A_52, %tanh3A : vector<128x64xf32>
      %mul3A_54 = arith.constant 5.000000e-01 : f32
      %mul3A_55 = vector.broadcast %mul3A_54 : f32 to vector<128x64xf32>
      %mul3A_56 = arith.mulf %mul3A_55, %add3A_53 : vector<128x64xf32>
      %mul3A_57 = arith.mulf %slice3A, %mul3A_56 : vector<128x64xf32>
      %slice3A_58 = vector.extract_strided_slice %dot_general3A_43 {offsets = [0, 64], sizes = [128, 64], strides = [1, 1]} : vector<128x128xf32> to vector<128x64xf32>
      %mul3A_59 = arith.mulf %mul3A_57, %slice3A_58 : vector<128x64xf32>
      %iota3A = tpu.iota {dimensions = array<i32: 0>} : vector<128x1xi32>
      %ge3A = vector.broadcast %get3A_25 : i32 to vector<128x1xi32>
      %ge3A_60 = arith.cmpi sge, %iota3A, %ge3A : vector<128x1xi32>
      %lt3A = vector.broadcast %get3A_28 : i32 to vector<128x1xi32>
      %lt3A_61 = arith.cmpi slt, %iota3A, %lt3A : vector<128x1xi32>
      %and3A = arith.andi %ge3A_60, %lt3A_61 : vector<128x1xi1>
      %get3A_62 = arith.index_cast %get3A_22 : i32 to index
      %get3A_63 = arith.constant 0 : index
      %get3A_64 = memref.load %arg2[%get3A_62, %get3A_63] : memref<64x1xf32, #tpu.memory_space<smem>>
      %jit3A = arith.constant 0.000000e+00 : f32
      %broadcast_in_dim3A = vector.broadcast %get3A_64 : f32 to vector<128x1xf32>
      %broadcast_in_dim3A_65 = vector.broadcast %jit3A : f32 to vector<128x1xf32>
      %select_n3A = arith.select %and3A, %broadcast_in_dim3A, %broadcast_in_dim3A_65 : vector<128x1xi1>, vector<128x1xf32>
      %mul3A_66 = vector.broadcast %select_n3A : vector<128x1xf32> to vector<128x64xf32>
      %mul3A_67 = arith.mulf %mul3A_59, %mul3A_66 : vector<128x64xf32>
      %get3A_68 = arith.index_cast %sub3A : i32 to index
      %get3A_69 = arith.constant 0 : index
      %get3A_70 = arith.constant 0 : index
      %get3A_71 = vector.load %arg5[%get3A_68, %get3A_69, %get3A_70] : memref<16x64x768xf32, #tpu.memory_space<vmem>>, vector<1x64x768xf32>
      %reshape3A_72 = vector.shape_cast %get3A_71 : vector<1x64x768xf32> to vector<64x768xf32>
      %convert_element_type3A_73 = arith.truncf %reshape3A_72 : vector<64x768xf32> to vector<64x768xbf16>
      %convert_element_type3A_74 = arith.truncf %mul3A_67 : vector<128x64xf32> to vector<128x64xbf16>
      %dot_general3A_75 = arith.constant dense<0.000000e+00> : vector<128x768xf32>
      %dot_general3A_76 = tpu.matmul %convert_element_type3A_74, %convert_element_type3A_73, %dot_general3A_75 {dimension_numbers = #tpu.dot_dimension_numbers<[1], [0], [0], [1], [0, 0, 1, 1], [], []>, transpose_lhs_hint = false} : vector<128x64xbf16>, vector<64x768xbf16>, vector<128x768xf32> -> vector<128x768xf32>
      %mul3A_77 = arith.constant 128 : i32
      %mul3A_78 = arith.muli %get3A_19, %mul3A_77 : i32
      %get3A_79 = arith.index_cast %mul3A_78 : i32 to index
      %get3A_80 = arith.constant 0 : index
      %get3A_81 = vector.load %arg6[%get3A_79, %get3A_80] : memref<2048x768xf32, #tpu.memory_space<vmem>>, vector<128x768xf32>
      %eq3A_82 = arith.constant 1 : i32
      %eq3A_83 = arith.cmpi eq, %get3A_31, %eq3A_82 : i32
      %add3A_84 = arith.addf %get3A_81, %dot_general3A_76 : vector<128x768xf32>
      %select_n3A_85 = arith.select %eq3A_83, %dot_general3A_76, %add3A_84 : vector<128x768xf32>
      %mul3A_86 = arith.constant 128 : i32
      %mul3A_87 = arith.muli %get3A_19, %mul3A_86 : i32
      %swap3A = arith.index_cast %mul3A_87 : i32 to index
      %swap3A_88 = arith.constant 0 : index
      %swap3A_89 = vector.load %arg6[%swap3A, %swap3A_88] : memref<2048x768xf32, #tpu.memory_space<vmem>>, vector<128x768xf32>
      tpu.vector_store %arg6[%swap3A, %swap3A_88], %select_n3A_85 {strides = array<i32>} : memref<2048x768xf32, #tpu.memory_space<vmem>>, vector<128x768xf32>,
    }
    return
  }
  func.func @transform_0(%arg0: i32) -> (i32, i32) {
    %c0_i32 = arith.constant 0 : i32
    %c0_i32_0 = arith.constant 0 : i32
    %c0_i32_1 = arith.constant 0 : i32
    return %c0_i32, %c0_i32_0 : i32, i32
  }
  func.func @transform_1(%arg0: i32) -> (i32, i32) {
    %c0_i32 = arith.constant 0 : i32
    %c0_i32_0 = arith.constant 0 : i32
    %c0_i32_1 = arith.constant 0 : i32
    return %c0_i32, %c0_i32_0 : i32, i32
  }
  func.func @transform_2(%arg0: i32) -> (i32, i32) {
    %c0_i32 = arith.constant 0 : i32
    %c0_i32_0 = arith.constant 0 : i32
    %c0_i32_1 = arith.constant 0 : i32
    return %c0_i32, %c0_i32_0 : i32, i32
  }
  func.func @transform_3(%arg0: i32) -> (i32, i32, i32, i32) {
    %c0_i32 = arith.constant 0 : i32
    %c0_i32_0 = arith.constant 0 : i32
    %c0_i32_1 = arith.constant 0 : i32
    %c0_i32_2 = arith.constant 0 : i32
    return %arg0, %c0_i32, %c0_i32_0, %c0_i32_1 : i32, i32, i32, i32
  }
  func.func @transform_4(%arg0: i32) -> (i32, i32, i32) {
    %c0_i32 = arith.constant 0 : i32
    %c0_i32_0 = arith.constant 0 : i32
    %c0_i32_1 = arith.constant 0 : i32
    return %arg0, %c0_i32, %c0_i32_0 : i32, i32, i32
  }
  func.func @transform_5(%arg0: i32) -> (i32, i32) {
    %c0_i32 = arith.constant 0 : i32
    %c0_i32_0 = arith.constant 0 : i32
    %c0_i32_1 = arith.constant 0 : i32
    return %c0_i32, %c0_i32_0 : i32, i32
  }
}

</mosaic_0001>

<sc_bundles>
// kernel: kernel.6.cloned.1.call-start
scs
__scs_entry_jumppad:
0x0: {  	(pc) =	sbr.rel $0x88, $3  }
0x1: {  	(tag) =	ssettag $0x0;
	lr =	simm.s32 $0x1  }
0x2: {  	[smem:$0x3F9B] =	sst lr;
	_ =	strace $0xD0000000  }
0x3: {  	_ = 	snop  }
0x4: {  	_ = 	snop  }
0x5: {  	_ = 	snop  }
0x6: {  	_ = 	snop  }
0x7: {  	_ = 	snop  }
__scs_overlays_trampoline_lowered:
0x8: {  	[smem:$0x3FAA] =	sst s0  }
0x9: {  	[smem:$0x3FAB] =	sst s1  }
0xa: {  	[smem:$0x3FAC] =	sst s2  }
0xb: {  	[smem:$0x3FAD] =	sst s3  }
0xc: {  	[smem:$0x3FAE] =	sst s4  }
0xd: {  	[smem:$0x3FAF] =	sst s5  }
0xe: {  	[smem:$0x3FB0] =	sst s6  }
0xf: {  	[smem:$0x3FB1] =	sst s7  }
0x10: {  	[smem:$0x3FB2] =	sst s8  }
0x11: {  	[smem:$0x3FB3] =	sst s9;
	s0 =	simm.s32 @!p0 $0x0  }
0x12: {  	s1 =	sld [smem:$0x3F99];
	s0 =	simm.s32 @p0 $0x1  }
0x13: {  	[smem:$0x3FB4] =	sst s0;
	s0 =	simm.s32 @!p1 $0x0  }
0x14: {  	s2 =	sld [smem:$0x3F98];
	s0 =	simm.s32 @p1 $0x1  }
0x15: {  	[smem:$0x3FB5] =	sst s0;
	s0 =	simm.s32 @!p2 $0x0  }
0x16: {  	s3 =	sld [smem:$0x3FDB];
	s0 =	simm.s32 @p2 $0x1  }
0x17: {  	s4 =	simm.s32 $0x1BF5;
	[smem:$0x3FB7] =	sst s0  }
0x18: {  	s0 =	sld [smem:$0x3F9A];
	_ =	swait.ge [sflag:s4], $0x0  }
0x19: {  	s7 =	sld [smem:$0x3F9B]  }
0x1a: {  	s8 =	sadd.s32 $0xFFFFE003, lr  }
0x1b: {  	s9 =	sadd.s32 $0xFFFFFEF7, lr;
	s5 =	simm.s32 $0xFFFFFFFF;
	p2 =	slt.u32 s8, $0xFFFFF086  }
0x1c: {  	p1 =	slt.u32 s9, $0xF7A;
	s5 =	simm.s32 @!p2 $0x0  }
0x1d: {  	s5 =	simm.s32 @p1 $0x1;
	p0 =	seq.s32 s7, s2  }
0x1e: {  	s7 =	smul.u32 @!p0 $0xF7A, s2;
	p2 =	seq.s32 @!p0 s5, $0x0  }
0x1f: {  	s9 =	smul.u32 $0xF7A, s1;
	s8 =	simm.s32 @!p0 $0x1BF5;
	p2 =	por !p2, p0  }
0x20: {  	[sflag:s8] =	ssyncset.s32 @!p0 $0xFFFFF086;
	s6 =	sadd.s32 @!p0 s3, s7;
	s7 =	simm.s32 @!p0 $0x108  }
0x21: {  	s3 =	sadd.s32 s3, s9;
	s6 =	sadd.s32 @!p0 $0x88, s6;
	s7 =	simm.s32 @p2 $0x1082  }
0x22: {  	[simem:s7], [sflag:s8] =	dma.local @!p0 [hbm:s6], $0xF7A  }
0x23: {  	s9 =	sor.u32 $0xD0000000, s2;
	s6 =	simm.s32 $0x108;
	_ =	swait.ge @!p0 [sflag:s8], $0x0  }
0x24: {  	s3 =	sadd.s32 $0x88, s3;
	s6 =	simm.s32 @!p1 $0x1082;
	[sflag:s4] =	ssyncset.s32 $0xFFFFF086  }
0x25: {  	[simem:s6], [sflag:s4] =	dma.local [hbm:s3], $0xF7A  }
0x26: {  	[smem:$0x3F9B] =	sst s1;
	(tag) =	ssettag s2;
	_ =	strace s9  }
0x27: {  	s1 =	sld [smem:$0x3FAB]  }
0x28: {  	s2 =	sld [smem:$0x3FAC]  }
0x29: {  	s4 =	sld [smem:$0x3FAE]  }
0x2a: {  	p0 =	seq.s32 s5, $0x0;
	s5 =	sld [smem:$0x3FAF]  }
0x2b: {  	s6 =	sld [smem:$0x3FB0]  }
0x2c: {  	s7 =	sld [smem:$0x3FB1]  }
0x2d: {  	s3 =	simm.s32 $0x108;
	s8 =	sld [smem:$0x3FB2]  }
0x2e: {  	s3 =	simm.s32 @!p0 $0x1082;
	s9 =	sld [smem:$0x3FB3]  }
0x2f: {  	lr =	sadd.s32 s0, s3;
	s0 =	sld [smem:$0x3FAA]  }
0x30: {  	s3 =	sld [smem:$0x3FAD]  }
0x31: {  	[smem:$0x3FB6] =	sst s10  }
0x32: {  	s10 =	sld [smem:$0x3FB4];
	_ =	sdelay $0x3  }
0x33: {  	p0 =	seq.s32 s10, $0x1;
	s10 =	sld [smem:$0x3FB6];
	_ =	sdelay $0x3  }
0x34: {  	[smem:$0x3FB6] =	sst s10  }
0x35: {  	s10 =	sld [smem:$0x3FB5];
	_ =	sdelay $0x3  }
0x36: {  	p1 =	seq.s32 s10, $0x1;
	s10 =	sld [smem:$0x3FB6];
	_ =	sdelay $0x3  }
0x37: {  	[smem:$0x3FB6] =	sst s10  }
0x38: {  	s10 =	sld [smem:$0x3FB7]  }
0x39: {  	_ = 	snop;
	(pc) =	sbr.ind lr, $3  }
0x3a: {  	_ = 	snop  }
0x3b: {  	_ = 	snop  }
0x3c: {  	p2 =	seq.s32 s10, $0x1;
	s10 =	sld [smem:$0x3FB6]  }
0x3d: {  	_ =	shalt  }
0x3e: {  	_ =	shalt  }
0x3f: {  	_ =	shalt  }
0x40: {  	_ =	shalt  }
0x41: {  	_ =	shalt  }
0x42: {  	_ =	shalt  }
0x43: {  	_ =	shalt  }
0x44: {  	_ =	shalt  }
0x45: {  	_ =	shalt  }
0x46: {  	_ =	shalt  }
0x47: {  	_ =	shalt  }
0x48: {  	_ =	shalt  }
0x49: {  	_ =	shalt  }
0x4a: {  	_ =	shalt  }
0x4b: {  	_ =	shalt  }
0x4c: {  	_ =	shalt  }
0x4d: {  	_ =	shalt  }
0x4e: {  	_ =	shalt  }
0x4f: {  	_ =	shalt  }
0x50: {  	_ =	shalt  }
0x51: {  	_ =	shalt  }
0x52: {  	_ =	shalt  }
0x53: {  	_ =	shalt  }
0x54: {  	_ =	shalt  }
0x55: {  	_ =	shalt  }
0x56: {  	_ =	shalt  }
0x57: {  	_ =	shalt  }
0x58: {  	_ =	shalt  }
0x59: {  	_ =	shalt  }
0x5a: {  	_ =	shalt  }
0x5b: {  	_ =	shalt  }
0x5c: {  	_ =	shalt  }
0x5d: {  	_ =	shalt  }
0x5e: {  	_ =	shalt  }
0x5f: {  	_ =	shalt  }
0x60: {  	_ =	shalt  }
0x61: {  	_ =	shalt  }
0x62: {  	_ =	shalt  }
0x63: {  	_ =	shalt  }
0x64: {  	_ =	shalt  }
0x65: {  	_ =	shalt  }
0x66: {  	_ =	shalt  }
0x67: {  	_ =	shalt  }
0x68: {  	_ =	shalt  }
0x69: {  	_ =	shalt  }
0x6a: {  	_ =	shalt  }
0x6b: {  	_ =	shalt  }
0x6c: {  	_ =	shalt  }
0x6d: {  	_ =	shalt  }
0x6e: {  	_ =	shalt  }
0x6f: {  	_ =	shalt  }
0x70: {  	_ =	shalt  }
0x71: {  	_ =	shalt  }
0x72: {  	_ =	shalt  }
0x73: {  	_ =	shalt  }
0x74: {  	_ =	shalt  }
0x75: {  	_ =	shalt  }
0x76: {  	_ =	shalt  }
0x77: {  	_ =	shalt  }
0x78: {  	_ =	shalt  }
0x79: {  	_ =	shalt  }
0x7a: {  	_ =	shalt  }
0x7b: {  	_ =	shalt  }
0x7c: {  	_ =	shalt  }
0x7d: {  	_ =	shalt  }
0x7e: {  	_ =	shalt  }
0x7f: {  	_ =	shalt  }
0x80: {  	_ =	shalt  }
0x81: {  	_ =	shalt  }
0x82: {  	_ =	shalt  }
0x83: {  	_ =	shalt  }
0x84: {  	_ =	shalt  }
0x85: {  	_ =	shalt  }
0x86: {  	_ =	shalt  }
0x87: {  	_ =	shalt  }
.Lfunc_end0:
.L_simem_size_0:
called_computation_lowered:
.L_overlay_start_0:
0x88: {  	s2 =	sld [smem:$0x3FD9]  }
0x89: {  	s3 =	sld [smem:$0x3FFE];
	_ =	sdelay $0x1  }
0x8a: {  	s1 =	srdreg.scid  }
0x8b: {  	s0 =	sand.u32 $0x1, s1  }
0x8c: {  	s17 =	sshll.u32 s0, $0xA;
	s2 =	sadd.s32 s3, s2  }
0x8d: {  	s2 =	sadd.s32 s2, s17  }
0x8e: {  	[smem:$0x3FC2] =	sst s2  }
0x8f: {  	_ = 	snop  }
0x90: {  	s2 =	sld [smem:$0x3FC9]  }
0x91: {  	s18 =	sld [smem:$0x3FD0];
	(tm) =	ssettm $0x1  }
0x92: {  	s4 =	sld [smem:$0x3FFB];
	_ =	sdelay $0x3  }
0x93: {  	_ =	strace s4  }
0x94: {  	s4 =	sld [smem:$0x3FFC];
	_ =	sdelay $0x3  }
0x95: {  	_ =	strace s4  }
0x96: {  	s4 =	sld [smem:$0x3FFD];
	_ =	sdelay $0x3  }
0x97: {  	_ =	strace s4  }
0x98: {  	_ =	strace $0x8FFFFFFF  }
0x99: {  	s19 =	sld [smem:$0x3FDB];
	_ =	sdelay $0x1  }
0x9a: {  	s5 =	simm.s32 $_scs_section_size  }
0x9b: {  	s6 =	simm.s32 $_size__tile_overlayer_lowered;
	s7 =	simm.s32 $_tile_overlayer_lowered  }
0x9c: {  	s22 =	simm.s32 $0x1BFF;
	s21 =	sshll.u32 s7, $0x1;
	s4 =	sadd.s32 s5, s19  }
0x9d: {  	s8 =	simm.s32 $0x0;
	s20 =	sshll.u32 s6, $0x1;
	s6 =	sadd.s32 s21, s4  }
0x9e: {  	[timem:s8], [sflag:s22] =	dma.local [hbm:s6], s20  }
0x9f: {  	_ =	swait.ge [sflag:s22], s20  }
0xa0: {  	s5 =	ssub.s32 $0x0, s20;
	[sflag:s22] =	ssyncset.done $0x0  }
0xa1: {  	[sflag:s22] =	ssyncadd.s32 s5;
	_ =	sdelay $0x1  }
0xa2: {  	s23 =	simm.s32 $0x1B8B  }
0xa3: {  	_ =	swait.ge [sflag:s23], $0x1  }
0xa4: {  	[sflag:s23] =	ssyncset.done $0x0  }
0xa5: {  	s25 =	simm.s32 $0x1B8E;
	s24 =	sld [smem:$0x3FFE];
	[sflag:s23] =	ssyncadd.s32 $0xFFFFFFFF  }
0xa6: {  	s26 =	simm.s32 $execute0_lowered;
	[smem:$0x3FD2] =	sst s25  }
0xa7: {  	s6 =	sshll.u32 s26, $0x1;
	_ =	strace $0x80000046;
	[dreg:$0x1] =	wrdreg $0xFFFFFFFF  }
0xa8: {  	s28 =	simm.s32 $_size_execute0_lowered;
	s4 =	sadd.s32 s4, s6;
	[dreg:$0x0] =	wrdreg $0x0  }
0xa9: {  	s6 =	sshll.u32 s28, $0x1;
	[dreg:$0x2] =	wrdreg s4  }
0xaa: {  	[dreg:$0x3] =	wrdreg s6  }
0xab: {  	[dreg:$0x4] =	wrdreg $0xC0  }
0xac: {  	_ =	task [dreg:s8], $0x5FFFF  }
0xad: {  	[dreg:$0x1] =	wrdreg $0xFFFFFFFF  }
0xae: {  	[dreg:$0x0] =	wrdreg $0x60  }
0xaf: {  	[dreg:$0x2] =	wrdreg s2  }
0xb0: {  	[dreg:$0x3] =	wrdreg s24  }
0xb1: {  	[dreg:$0x4] =	wrdreg s18  }
0xb2: {  	[dreg:$0x5] =	wrdreg $0x9  }
0xb3: {  	_ =	task.clear_ibuf [dreg:s8], $0x6FFFF;
	_ =	strace $0x90000046  }
0xb4: {  	s29 =	simm.s32 $0x9;
	_ =	strace $0x80000048  }
0xb5: {  	_ =	swait.ge [sflag:s29], $0x1  }
0xb6: {  	[sflag:s29] =	ssyncadd.s32 $0xFFFFFFFF  }
0xb7: {  	_ =	strace $0x90000048  }
0xb8: {  	_ =	sfence  }
0xb9: {  	s30 =	sld [smem:$0x0];
	_ =	sdelay $0x2  }
0xba: {  	s31 =	sshll.u32 s1, $0xD;
	s1 =	sshrl.u32 s1, $0x2  }
0xbb: {  	s3 =	sand.u32 $0x4000, s31;
	s1 =	sadd.s32 s1, s30  }
0xbc: {  	s0 =	sor.u32 s3, s0;
	s1 =	sshll.u32 s1, $0x11  }
0xbd: {  	s0 =	sor.u32 s1, s0  }
0xbe: {  	s0 =	sadd.s32 $0x8F2B, s0  }
0xbf: {  	[sflag:s0] =	ssyncadd.remote.s32 $0x1  }
0xc0: {  	_ =	sfence.sel $0xFFFF  }
0xc1: {  	[dreg:$0x0] =	wrdreg $0xFFFFFFFF;
	(pc) =	sbr.abs _section_cstart, $3  }
0xc2: {  	[dreg:$0x1] =	wrdreg $0xFFFFFFFF  }
0xc3: {  	_ =	task.clear_ibuf [dreg:s8], $0x2FFFF;
	_ =	strace $0x9FFFFFFF  }
0xc4: {  	(tm) =	ssettm $0x7FFFFFFF  }
0xc5: {  	_ =	shalt  }
tec
execute0_lowered:
.L_overlay_start_1:
0x0: {  	(tag) =	ssettag $0x1  }
0x1: {  	s1 =	rddreg [dreg:$0x0]  }
0x2: {  	s2 =	srdreg.scid;
	s4 =	rddreg [dreg:$0x1]  }
0x3: {  	s0 =	stileid.u32;
	s3 =	simm.s32 $0x0;
	s8 =	simm.s32 $0x80  }
0x4: {  	s26 =	simm.s32 $0x880;
	s9 =	simm.s32 $0x1080;
	s10 =	simm.s32 $0x1880  }
0x5: {  	s11 =	simm.s32 $0x2080;
	s12 =	simm.s32 $0x2880;
	s13 =	simm.s32 $0x3080  }
0x6: {  	s14 =	simm.s32 $0x3880;
	s15 =	simm.s32 $0x4080;
	s16 =	simm.s32 $0x4880  }
0x7: {  	s17 =	simm.s32 $0x5080;
	s18 =	simm.s32 $0x5880;
	s19 =	simm.s32 $0x6080  }
0x8: {  	s20 =	simm.s32 $0x6880;
	s21 =	simm.s32 $0x7080;
	s22 =	simm.s32 $0x7880  }
0x9: {  	s23 =	simm.s32 $0x8080;
	s28 =	simm.s32 $0xA080;
	s29 =	simm.s32 $0xA880  }
0xa: {  	s30 =	simm.s32 $0xB080;
	s5 =	sand.u32 $0x1, s2;
	s2 =	rddreg [dreg:$0x2]  }
0xb: {  	s31 =	simm.s32 $0xB880;
	s6 =	sshll.u32 s0, $0x4;
	[smem:$0x7FF] =	sst s3  }
0xc: {  	s7 =	sshll.u32 s5, $0x3;
	_ =	strace $0x80000047;
	s5 =	ssub.s32 $0x2, s5  }
0xd: {  	[dreg:$0x6] =	wrdreg s26;
	s26 =	simm.s32 $0x9880;
	s6 =	sor.u32 s7, s6  }
0xe: {  	s24 =	sshrl.u32 s5, $0x1;
	s7 =	simm.s32 $0x2;
	s4 =	sadd.s32 s6, s4  }
0xf: {  	s6 =	smul.u32 $0x300, s6;
	s25 =	ssub.s32 s5, s24;
	s4 =	sadd.s32 $0x800, s4  }
0x10: {  	v2 =	vlaneseq.u32;
	s5 =	sadd.s32 $0x200, s2;
	s24 =	simm.s32 $0x8880;
	[dreg:$0x4] =	wrdreg s4  }
0x11: {  	vm0 =	vmmov $0xffff;
	v1 =	vshrl.u32 v2, $0x3;
	s1 =	sadd.s32 s1, s6;
	s4 =	sadd.s32 $0x100, s2;
	s6 =	smax.u32 s25, $0x1  }
0x12: {  	v0 =	vand.u32 $0x7, v2;
	v2 =	vor.u32 $0x8, v2;
	v1 =	vmul.u32 $0x8, v1;
	s25 =	simm.s32 $0x9080;
	[dreg:$0x5] =	wrdreg s1;
	s1 =	simm.s32 $0x1  }
.LBB2_1:
0x13: {  	s0 =	rddreg [dreg:$0x4]  }
0x14: {  	[tilespmem:s3], [sflag:$0x2] =	stream.linear.gather [hbm4b:s0+s3], $0x40, $0x38;
	[tilespmem:$0xC080] =	vst v63  }
0x15: {  	_ =	swait.ge [sflag:s7], $0x40  }
0x16: {  	[sflag:s7] =	ssyncset.done $0x0  }
0x17: {  	s0 =	rddreg [dreg:$0x5];
	[sflag:s7] =	ssyncadd.s32 $0xFFFFFFC0  }
0x18: {  	[tilespmem:s8], [sflag:$0x2] =	stream.linear.gather [hbm4b:s0+s3], $0xC000, $0x38;
	[tilespmem:$0xC080] =	vst v63  }
0x19: {  	_ =	swait.ge [sflag:s7], $0xC000  }
0x1a: {  	[sflag:s7] =	ssyncset.done $0x0  }
0x1b: {  	[sflag:s7] =	ssyncadd.s32 $0xFFFF4000  }
0x1c: {  	v3 =	vld [tilespmem:$0x0];
	_ =	sdelay $0x4  }
0x1d: {  	v4 =	vshrl.u32 v3, $0x3  }
0x1e: {  	v4 =	vmul.u32 $0x30, v4  }
0x1f: {  	v3 =	vand.u32 $0x7, v3  }
0x20: {  	v3 =	vor.u32 v3, v4  }
0x21: {  	v4 =	vperm.xlane v3, v0;
	_ =	sdelay $0x1  }
0x22: {  	v4 =	vadd.s32 v1, v4;
	_ =	sdelay $0x3  }
0x23: {  	v3 =	vperm.xlane v3, v2  }
0x24: {  	[hbm4b:s2+s3] =	stream.indirect_vreg.scatter [tilespmem:s8], [sflag:$0x1], $0x80, v4, vm0, $0xb8;
	[tilespmem:$0xC080] =	vst v63  }
0x25: {  	s0 =	rddreg [dreg:$0x6];
	v3 =	vadd.s32 v1, v3  }
0x26: {  	[hbm4b:s4+s3] =	stream.indirect_vreg.scatter [tilespmem:s0], [sflag:$0x1], $0x80, v4, vm0, $0xb8;
	[tilespmem:$0xC080] =	vst v63  }
0x27: {  	_ = 	snop  }
0x28: {  	[hbm4b:s5+s3] =	stream.indirect_vreg.scatter [tilespmem:s9], [sflag:$0x1], $0x80, v4, vm0, $0xb8;
	[tilespmem:$0xC080] =	vst v63  }
0x29: {  	_ = 	snop  }
0x2a: {  	[hbm4b:s2+s3] =	stream.indirect_vreg.scatter [tilespmem:s10], [sflag:$0x1], $0x80, v3, vm0, $0xb8;
	[tilespmem:$0xC080] =	vst v63  }
0x2b: {  	_ = 	snop  }
0x2c: {  	[hbm4b:s4+s3] =	stream.indirect_vreg.scatter [tilespmem:s11], [sflag:$0x1], $0x80, v3, vm0, $0xb8;
	[tilespmem:$0xC080] =	vst v63  }
0x2d: {  	_ = 	snop  }
0x2e: {  	[hbm4b:s5+s3] =	stream.indirect_vreg.scatter [tilespmem:s12], [sflag:$0x1], $0x80, v3, vm0, $0xb8;
	[tilespmem:$0xC080] =	vst v63  }
0x2f: {  	v3 =	vld [tilespmem:$0x10];
	_ =	sdelay $0x4  }
0x30: {  	v61 =	vshrl.u32 v3, $0x3  }
0x31: {  	v4 =	vmul.u32 $0x30, v61  }
0x32: {  	v3 =	vand.u32 $0x7, v3  }
0x33: {  	v3 =	vor.u32 v3, v4  }
0x34: {  	v4 =	vperm.xlane v3, v0;
	_ =	sdelay $0x1  }
0x35: {  	v4 =	vadd.s32 v1, v4;
	_ =	sdelay $0x3  }
0x36: {  	v3 =	vperm.xlane v3, v2  }
0x37: {  	[hbm4b:s2+s3] =	stream.indirect_vreg.scatter [tilespmem:s13], [sflag:$0x1], $0x80, v4, vm0, $0xb8;
	[tilespmem:$0xC080] =	vst v63  }
0x38: {  	v3 =	vadd.s32 v1, v3  }
0x39: {  	[hbm4b:s4+s3] =	stream.indirect_vreg.scatter [tilespmem:s14], [sflag:$0x1], $0x80, v4, vm0, $0xb8;
	[tilespmem:$0xC080] =	vst v63  }
0x3a: {  	_ = 	snop  }
0x3b: {  	[hbm4b:s5+s3] =	stream.indirect_vreg.scatter [tilespmem:s15], [sflag:$0x1], $0x80, v4, vm0, $0xb8;
	[tilespmem:$0xC080] =	vst v63  }
0x3c: {  	_ = 	snop  }
0x3d: {  	[hbm4b:s2+s3] =	stream.indirect_vreg.scatter [tilespmem:s16], [sflag:$0x1], $0x80, v3, vm0, $0xb8;
	[tilespmem:$0xC080] =	vst v63  }
0x3e: {  	_ = 	snop  }
0x3f: {  	[hbm4b:s4+s3] =	stream.indirect_vreg.scatter [tilespmem:s17], [sflag:$0x1], $0x80, v3, vm0, $0xb8;
	[tilespmem:$0xC080] =	vst v63  }
0x40: {  	_ = 	snop  }
0x41: {  	[hbm4b:s5+s3] =	stream.indirect_vreg.scatter [tilespmem:s18], [sflag:$0x1], $0x80, v3, vm0, $0xb8;
	[tilespmem:$0xC080] =	vst v63  }
0x42: {  	v3 =	vld [tilespmem:$0x20];
	_ =	sdelay $0x4  }
0x43: {  	v62 =	vshrl.u32 v3, $0x3  }
0x44: {  	v4 =	vmul.u32 $0x30, v62  }
0x45: {  	v3 =	vand.u32 $0x7, v3  }
0x46: {  	v3 =	vor.u32 v3, v4  }
0x47: {  	v4 =	vperm.xlane v3, v0;
	_ =	sdelay $0x1  }
0x48: {  	v4 =	vadd.s32 v1, v4;
	_ =	sdelay $0x3  }
0x49: {  	v3 =	vperm.xlane v3, v2  }
0x4a: {  	[hbm4b:s2+s3] =	stream.indirect_vreg.scatter [tilespmem:s19], [sflag:$0x1], $0x80, v4, vm0, $0xb8;
	[tilespmem:$0xC080] =	vst v63  }
0x4b: {  	v3 =	vadd.s32 v1, v3  }
0x4c: {  	[hbm4b:s4+s3] =	stream.indirect_vreg.scatter [tilespmem:s20], [sflag:$0x1], $0x80, v4, vm0, $0xb8;
	[tilespmem:$0xC080] =	vst v63  }
0x4d: {  	_ = 	snop  }
0x4e: {  	[hbm4b:s5+s3] =	stream.indirect_vreg.scatter [tilespmem:s21], [sflag:$0x1], $0x80, v4, vm0, $0xb8;
	[tilespmem:$0xC080] =	vst v63  }
0x4f: {  	_ = 	snop  }
0x50: {  	[hbm4b:s2+s3] =	stream.indirect_vreg.scatter [tilespmem:s22], [sflag:$0x1], $0x80, v3, vm0, $0xb8;
	[tilespmem:$0xC080] =	vst v63  }
0x51: {  	_ = 	snop  }
0x52: {  	[hbm4b:s4+s3] =	stream.indirect_vreg.scatter [tilespmem:s23], [sflag:$0x1], $0x80, v3, vm0, $0xb8;
	[tilespmem:$0xC080] =	vst v63  }
0x53: {  	_ = 	snop  }
0x54: {  	[hbm4b:s5+s3] =	stream.indirect_vreg.scatter [tilespmem:s24], [sflag:$0x1], $0x80, v3, vm0, $0xb8;
	[tilespmem:$0xC080] =	vst v63  }
0x55: {  	v3 =	vld [tilespmem:$0x30];
	_ =	sdelay $0x4  }
0x56: {  	v63 =	vshrl.u32 v3, $0x3  }
0x57: {  	v4 =	vmul.u32 $0x30, v63  }
0x58: {  	v3 =	vand.u32 $0x7, v3  }
0x59: {  	v3 =	vor.u32 v3, v4  }
0x5a: {  	v4 =	vperm.xlane v3, v0;
	_ =	sdelay $0x1  }
0x5b: {  	v4 =	vadd.s32 v1, v4;
	_ =	sdelay $0x3  }
0x5c: {  	v3 =	vperm.xlane v3, v2  }
0x5d: {  	[hbm4b:s2+s3] =	stream.indirect_vreg.scatter [tilespmem:s25], [sflag:$0x1], $0x80, v4, vm0, $0xb8;
	[tilespmem:$0xC080] =	vst v63  }
0x5e: {  	v3 =	vadd.s32 v1, v3  }
0x5f: {  	[hbm4b:s4+s3] =	stream.indirect_vreg.scatter [tilespmem:s26], [sflag:$0x1], $0x80, v4, vm0, $0xb8;
	[tilespmem:$0xC080] =	vst v63  }
0x60: {  	_ = 	snop  }
0x61: {  	[hbm4b:s5+s3] =	stream.indirect_vreg.scatter [tilespmem:s28], [sflag:$0x1], $0x80, v4, vm0, $0xb8;
	[tilespmem:$0xC080] =	vst v63  }
0x62: {  	_ = 	snop  }
0x63: {  	[hbm4b:s2+s3] =	stream.indirect_vreg.scatter [tilespmem:s29], [sflag:$0x1], $0x80, v3, vm0, $0xb8;
	[tilespmem:$0xC080] =	vst v63  }
0x64: {  	p0 =	sne.s32 s6, $0x1  }
0x65: {  	[hbm4b:s4+s3] =	stream.indirect_vreg.scatter [tilespmem:s30], [sflag:$0x1], $0x80, v3, vm0, $0xb8;
	[tilespmem:$0xC080] =	vst v63  }
.Ltmp0:
0x66: {  	_ = 	snop;
	(pc) =	sbr.rel @p0 .LBB2_1-.Ltmp0, $4  }
0x67: {  	[hbm4b:s5+s3] =	stream.indirect_vreg.scatter [tilespmem:s31], [sflag:$0x1], $0x80, v3, vm0, $0xb8;
	[tilespmem:$0xC080] =	vst v63  }
0x68: {  	_ =	swait.ge [sflag:s1], $0xC000  }
0x69: {  	[sflag:s1] =	ssyncset.done $0x0  }
0x6a: {  	s6 =	sadd.s32 $0xFFFFFFFF, s6;
	[sflag:s1] =	ssyncadd.s32 $0xFFFF4000  }
0x6b: {  	_ =	sfence.sel $0x180000  }
0x6c: {  	[bflag:$0x0] =	sbarrier.arrive $0xFFFF  }
0x6d: {  	_ =	strace $0x90000047  }
0x6e: {  	s0 =	stileid.u32;
	[bflag:$0x2] =	sbarrier.arrive $0xFFFF  }
0x6f: {  	p0 =	sne.s32 s0, $0x0;
	s0 =	rddreg [dreg:$0x3]  }
0x70: {  	s0 =	sadd.s32 @!p0 $0x100000, s0  }
0x71: {  	[sflag:s0] =	ssyncadd.tile.s32 @!p0 $0x1;
	_ =	shalt  }
.Lfunc_end2:
_tile_overlayer_lowered:
.L_overlay_start_2:
0x72: {  	(tag) =	ssettag $0x2  }
0x73: {  	s0 =	rddreg [dreg:$0x0];
	s2 =	stileid.u32  }
0x74: {  	s1 =	rddreg [dreg:$0x1];
	p0 =	sne.s32 s2, $0x0  }
0x75: {  	s3 =	rddreg [dreg:$0x2];
	[bflag:$0x3] =	sbarrier.arrive $0xFFFF;
	s2 =	simm.s32 @!p0 $0x1C02  }
0x76: {  	[timem:s3], [sflag:s2] =	dma.local @!p0 [hbm:s0], s1  }
0x77: {  	s0 =	simm.s32 @!p0 $0x2  }
0x78: {  	_ =	swait.ge @!p0 [sflag:s0], s1  }
0x79: {  	s1 =	ssub.s32 @!p0 $0x0, s1;
	[sflag:s0] =	ssyncset.done @!p0 $0x0  }
0x7a: {  	[sflag:s0] =	ssyncadd.s32 @!p0 s1  }
0x7b: {  	[bflag:$0x3] =	sbarrier.arrive $0xFFFF  }
0x7c: {  	_ =	shalt  }

// kernel: kernel.9.cloned.1.call-start
scs
__scs_entry_jumppad:
0x0: {  	(pc) =	sbr.rel $0x88, $3  }
0x1: {  	(tag) =	ssettag $0x0;
	lr =	simm.s32 $0x1  }
0x2: {  	[smem:$0x3F9B] =	sst lr;
	_ =	strace $0xD0000000  }
0x3: {  	_ = 	snop  }
0x4: {  	_ = 	snop  }
0x5: {  	_ = 	snop  }
0x6: {  	_ = 	snop  }
0x7: {  	_ = 	snop  }
__scs_overlays_trampoline_lowered:
0x8: {  	[smem:$0x3FAA] =	sst s0  }
0x9: {  	[smem:$0x3FAB] =	sst s1  }
0xa: {  	[smem:$0x3FAC] =	sst s2  }
0xb: {  	[smem:$0x3FAD] =	sst s3  }
0xc: {  	[smem:$0x3FAE] =	sst s4  }
0xd: {  	[smem:$0x3FAF] =	sst s5  }
0xe: {  	[smem:$0x3FB0] =	sst s6  }
0xf: {  	[smem:$0x3FB1] =	sst s7  }
0x10: {  	[smem:$0x3FB2] =	sst s8  }
0x11: {  	[smem:$0x3FB3] =	sst s9;
	s0 =	simm.s32 @!p0 $0x0  }
0x12: {  	s1 =	sld [smem:$0x3F99];
	s0 =	simm.s32 @p0 $0x1  }
0x13: {  	[smem:$0x3FB4] =	sst s0;
	s0 =	simm.s32 @!p1 $0x0  }
0x14: {  	s2 =	sld [smem:$0x3F98];
	s0 =	simm.s32 @p1 $0x1  }
0x15: {  	[smem:$0x3FB5] =	sst s0;
	s0 =	simm.s32 @!p2 $0x0  }
0x16: {  	s3 =	sld [smem:$0x3FDB];
	s0 =	simm.s32 @p2 $0x1  }
0x17: {  	s4 =	simm.s32 $0x1BF5;
	[smem:$0x3FB7] =	sst s0  }
0x18: {  	s0 =	sld [smem:$0x3F9A];
	_ =	swait.ge [sflag:s4], $0x0  }
0x19: {  	s7 =	sld [smem:$0x3F9B]  }
0x1a: {  	s8 =	sadd.s32 $0xFFFFE003, lr  }
0x1b: {  	s9 =	sadd.s32 $0xFFFFFEF7, lr;
	s5 =	simm.s32 $0xFFFFFFFF;
	p2 =	slt.u32 s8, $0xFFFFF086  }
0x1c: {  	p1 =	slt.u32 s9, $0xF7A;
	s5 =	simm.s32 @!p2 $0x0  }
0x1d: {  	s5 =	simm.s32 @p1 $0x1;
	p0 =	seq.s32 s7, s2  }
0x1e: {  	s7 =	smul.u32 @!p0 $0xF7A, s2;
	p2 =	seq.s32 @!p0 s5, $0x0  }
0x1f: {  	s9 =	smul.u32 $0xF7A, s1;
	s8 =	simm.s32 @!p0 $0x1BF5;
	p2 =	por !p2, p0  }
0x20: {  	[sflag:s8] =	ssyncset.s32 @!p0 $0xFFFFF086;
	s6 =	sadd.s32 @!p0 s3, s7;
	s7 =	simm.s32 @!p0 $0x108  }
0x21: {  	s3 =	sadd.s32 s3, s9;
	s6 =	sadd.s32 @!p0 $0x88, s6;
	s7 =	simm.s32 @p2 $0x1082  }
0x22: {  	[simem:s7], [sflag:s8] =	dma.local @!p0 [hbm:s6], $0xF7A  }
0x23: {  	s9 =	sor.u32 $0xD0000000, s2;
	s6 =	simm.s32 $0x108;
	_ =	swait.ge @!p0 [sflag:s8], $0x0  }
0x24: {  	s3 =	sadd.s32 $0x88, s3;
	s6 =	simm.s32 @!p1 $0x1082;
	[sflag:s4] =	ssyncset.s32 $0xFFFFF086  }
0x25: {  	[simem:s6], [sflag:s4] =	dma.local [hbm:s3], $0xF7A  }
0x26: {  	[smem:$0x3F9B] =	sst s1;
	(tag) =	ssettag s2;
	_ =	strace s9  }
0x27: {  	s1 =	sld [smem:$0x3FAB]  }
0x28: {  	s2 =	sld [smem:$0x3FAC]  }
0x29: {  	s4 =	sld [smem:$0x3FAE]  }
0x2a: {  	p0 =	seq.s32 s5, $0x0;
	s5 =	sld [smem:$0x3FAF]  }
0x2b: {  	s6 =	sld [smem:$0x3FB0]  }
0x2c: {  	s7 =	sld [smem:$0x3FB1]  }
0x2d: {  	s3 =	simm.s32 $0x108;
	s8 =	sld [smem:$0x3FB2]  }
0x2e: {  	s3 =	simm.s32 @!p0 $0x1082;
	s9 =	sld [smem:$0x3FB3]  }
0x2f: {  	lr =	sadd.s32 s0, s3;
	s0 =	sld [smem:$0x3FAA]  }
0x30: {  	s3 =	sld [smem:$0x3FAD]  }
0x31: {  	[smem:$0x3FB6] =	sst s10  }
0x32: {  	s10 =	sld [smem:$0x3FB4];
	_ =	sdelay $0x3  }
0x33: {  	p0 =	seq.s32 s10, $0x1;
	s10 =	sld [smem:$0x3FB6];
	_ =	sdelay $0x3  }
0x34: {  	[smem:$0x3FB6] =	sst s10  }
0x35: {  	s10 =	sld [smem:$0x3FB5];
	_ =	sdelay $0x3  }
0x36: {  	p1 =	seq.s32 s10, $0x1;
	s10 =	sld [smem:$0x3FB6];
	_ =	sdelay $0x3  }
0x37: {  	[smem:$0x3FB6] =	sst s10  }
0x38: {  	s10 =	sld [smem:$0x3FB7]  }
0x39: {  	_ = 	snop;
	(pc) =	sbr.ind lr, $3  }
0x3a: {  	_ = 	snop  }
0x3b: {  	_ = 	snop  }
0x3c: {  	p2 =	seq.s32 s10, $0x1;
	s10 =	sld [smem:$0x3FB6]  }
0x3d: {  	_ =	shalt  }
0x3e: {  	_ =	shalt  }
0x3f: {  	_ =	shalt  }
0x40: {  	_ =	shalt  }
0x41: {  	_ =	shalt  }
0x42: {  	_ =	shalt  }
0x43: {  	_ =	shalt  }
0x44: {  	_ =	shalt  }
0x45: {  	_ =	shalt  }
0x46: {  	_ =	shalt  }
0x47: {  	_ =	shalt  }
0x48: {  	_ =	shalt  }
0x49: {  	_ =	shalt  }
0x4a: {  	_ =	shalt  }
0x4b: {  	_ =	shalt  }
0x4c: {  	_ =	shalt  }
0x4d: {  	_ =	shalt  }
0x4e: {  	_ =	shalt  }
0x4f: {  	_ =	shalt  }
0x50: {  	_ =	shalt  }
0x51: {  	_ =	shalt  }
0x52: {  	_ =	shalt  }
0x53: {  	_ =	shalt  }
0x54: {  	_ =	shalt  }
0x55: {  	_ =	shalt  }
0x56: {  	_ =	shalt  }
0x57: {  	_ =	shalt  }
0x58: {  	_ =	shalt  }
0x59: {  	_ =	shalt  }
0x5a: {  	_ =	shalt  }
0x5b: {  	_ =	shalt  }
0x5c: {  	_ =	shalt  }
0x5d: {  	_ =	shalt  }
0x5e: {  	_ =	shalt  }
0x5f: {  	_ =	shalt  }
0x60: {  	_ =	shalt  }
0x61: {  	_ =	shalt  }
0x62: {  	_ =	shalt  }
0x63: {  	_ =	shalt  }
0x64: {  	_ =	shalt  }
0x65: {  	_ =	shalt  }
0x66: {  	_ =	shalt  }
0x67: {  	_ =	shalt  }
0x68: {  	_ =	shalt  }
0x69: {  	_ =	shalt  }
0x6a: {  	_ =	shalt  }
0x6b: {  	_ =	shalt  }
0x6c: {  	_ =	shalt  }
0x6d: {  	_ =	shalt  }
0x6e: {  	_ =	shalt  }
0x6f: {  	_ =	shalt  }
0x70: {  	_ =	shalt  }
0x71: {  	_ =	shalt  }
0x72: {  	_ =	shalt  }
0x73: {  	_ =	shalt  }
0x74: {  	_ =	shalt  }
0x75: {  	_ =	shalt  }
0x76: {  	_ =	shalt  }
0x77: {  	_ =	shalt  }
0x78: {  	_ =	shalt  }
0x79: {  	_ =	shalt  }
0x7a: {  	_ =	shalt  }
0x7b: {  	_ =	shalt  }
0x7c: {  	_ =	shalt  }
0x7d: {  	_ =	shalt  }
0x7e: {  	_ =	shalt  }
0x7f: {  	_ =	shalt  }
0x80: {  	_ =	shalt  }
0x81: {  	_ =	shalt  }
0x82: {  	_ =	shalt  }
0x83: {  	_ =	shalt  }
0x84: {  	_ =	shalt  }
0x85: {  	_ =	shalt  }
0x86: {  	_ =	shalt  }
0x87: {  	_ =	shalt  }
.Lfunc_end0:
.L_simem_size_0:
called_computation.1_lowered:
.L_overlay_start_0:
0x88: {  	s2 =	sld [smem:$0x3FD9]  }
0x89: {  	s3 =	sld [smem:$0x3FFE];
	_ =	sdelay $0x1  }
0x8a: {  	s1 =	srdreg.scid  }
0x8b: {  	s0 =	sand.u32 $0x1, s1  }
0x8c: {  	s17 =	sshll.u32 s0, $0xA;
	s2 =	sadd.s32 s3, s2  }
0x8d: {  	s2 =	sadd.s32 s2, s17  }
0x8e: {  	[smem:$0x3FC2] =	sst s2  }
0x8f: {  	_ = 	snop  }
0x90: {  	s2 =	sld [smem:$0x3FD0];
	(tm) =	ssettm $0x1  }
0x91: {  	s18 =	sld [smem:$0x3FFB];
	_ =	sdelay $0x3  }
0x92: {  	_ =	strace s18  }
0x93: {  	s3 =	sld [smem:$0x3FFC];
	_ =	sdelay $0x3  }
0x94: {  	_ =	strace s3  }
0x95: {  	s3 =	sld [smem:$0x3FFD];
	_ =	sdelay $0x3  }
0x96: {  	_ =	strace s3  }
0x97: {  	_ =	strace $0x8FFFFFFF  }
0x98: {  	s19 =	sld [smem:$0x3FDB];
	_ =	sdelay $0x1  }
0x99: {  	s4 =	simm.s32 $_scs_section_size  }
0x9a: {  	s5 =	simm.s32 $_size__tile_overlayer_lowered;
	s6 =	simm.s32 $_tile_overlayer_lowered  }
0x9b: {  	s22 =	simm.s32 $0x1BFF;
	s21 =	sshll.u32 s6, $0x1;
	s3 =	sadd.s32 s4, s19  }
0x9c: {  	s7 =	simm.s32 $0x0;
	s20 =	sshll.u32 s5, $0x1;
	s5 =	sadd.s32 s21, s3  }
0x9d: {  	[timem:s7], [sflag:s22] =	dma.local [hbm:s5], s20  }
0x9e: {  	_ =	swait.ge [sflag:s22], s20  }
0x9f: {  	s4 =	ssub.s32 $0x0, s20;
	[sflag:s22] =	ssyncset.done $0x0  }
0xa0: {  	[sflag:s22] =	ssyncadd.s32 s4;
	_ =	sdelay $0x1  }
0xa1: {  	s23 =	simm.s32 $0x1B8B  }
0xa2: {  	_ =	swait.ge [sflag:s23], $0x1  }
0xa3: {  	[sflag:s23] =	ssyncset.done $0x0  }
0xa4: {  	s25 =	simm.s32 $0x1B8E;
	s24 =	sld [smem:$0x3FFE];
	[sflag:s23] =	ssyncadd.s32 $0xFFFFFFFF  }
0xa5: {  	s26 =	simm.s32 $execute0_lowered;
	[smem:$0x3FD2] =	sst s25  }
0xa6: {  	s5 =	sshll.u32 s26, $0x1;
	_ =	strace $0x80000049;
	[dreg:$0x1] =	wrdreg $0xFFFFFFFF  }
0xa7: {  	s28 =	simm.s32 $_size_execute0_lowered;
	s3 =	sadd.s32 s3, s5;
	[dreg:$0x0] =	wrdreg $0x0  }
0xa8: {  	s5 =	sshll.u32 s28, $0x1;
	[dreg:$0x2] =	wrdreg s3  }
0xa9: {  	[dreg:$0x3] =	wrdreg s5  }
0xaa: {  	[dreg:$0x4] =	wrdreg $0xC0  }
0xab: {  	_ =	task [dreg:s7], $0x5FFFF  }
0xac: {  	[dreg:$0x1] =	wrdreg $0xFFFFFFFF  }
0xad: {  	[dreg:$0x0] =	wrdreg $0x60  }
0xae: {  	[dreg:$0x2] =	wrdreg s24  }
0xaf: {  	[dreg:$0x3] =	wrdreg s2  }
0xb0: {  	[dreg:$0x4] =	wrdreg $0x9  }
0xb1: {  	_ =	task.clear_ibuf [dreg:s7], $0x5FFFF;
	_ =	strace $0x90000049  }
0xb2: {  	s29 =	simm.s32 $0x9;
	_ =	strace $0x8000004B  }
0xb3: {  	_ =	swait.ge [sflag:s29], $0x1  }
0xb4: {  	[sflag:s29] =	ssyncadd.s32 $0xFFFFFFFF  }
0xb5: {  	_ =	strace $0x9000004B  }
0xb6: {  	_ =	sfence  }
0xb7: {  	s30 =	sld [smem:$0x0];
	_ =	sdelay $0x2  }
0xb8: {  	s31 =	sshll.u32 s1, $0xD;
	s1 =	sshrl.u32 s1, $0x2  }
0xb9: {  	s3 =	sand.u32 $0x4000, s31;
	s1 =	sadd.s32 s1, s30  }
0xba: {  	s0 =	sor.u32 s3, s0;
	s1 =	sshll.u32 s1, $0x11  }
0xbb: {  	s0 =	sor.u32 s1, s0  }
0xbc: {  	s0 =	sadd.s32 $0x8F2B, s0  }
0xbd: {  	[sflag:s0] =	ssyncadd.remote.s32 $0x1  }
0xbe: {  	_ =	sfence.sel $0xFFFF  }
0xbf: {  	[dreg:$0x0] =	wrdreg $0xFFFFFFFF;
	(pc) =	sbr.abs _section_cstart, $3  }
0xc0: {  	[dreg:$0x1] =	wrdreg $0xFFFFFFFF  }
0xc1: {  	_ =	task.clear_ibuf [dreg:s7], $0x2FFFF;
	_ =	strace $0x9FFFFFFF  }
0xc2: {  	(tm) =	ssettm $0x7FFFFFFF  }
0xc3: {  	_ =	shalt  }
tec
execute0_lowered:
.L_overlay_start_1:
0x0: {  	(tag) =	ssettag $0x1  }
0x1: {  	s0 =	rddreg [dreg:$0x0]  }
0x2: {  	s5 =	rddreg [dreg:$0x1];
	s3 =	srdreg.scid  }
0x3: {  	s2 =	simm.s32 $0x0;
	s1 =	stileid.u32;
	s26 =	simm.s32 $0x880  }
0x4: {  	s10 =	simm.s32 $0x1880;
	s11 =	simm.s32 $0x2080;
	s12 =	simm.s32 $0x2880  }
0x5: {  	s13 =	simm.s32 $0x3080;
	s14 =	simm.s32 $0x3880;
	s15 =	simm.s32 $0x4080  }
0x6: {  	s16 =	simm.s32 $0x4880;
	s17 =	simm.s32 $0x5080;
	s18 =	simm.s32 $0x5880  }
0x7: {  	s19 =	simm.s32 $0x6080;
	s20 =	simm.s32 $0x6880;
	s21 =	simm.s32 $0x7080  }
0x8: {  	s22 =	simm.s32 $0x7880;
	s28 =	simm.s32 $0xA080;
	s29 =	simm.s32 $0xA880  }
0x9: {  	s30 =	simm.s32 $0xB080;
	s31 =	simm.s32 $0xB880;
	s3 =	sand.u32 $0x1, s3  }
0xa: {  	[smem:$0x7FF] =	sst s2;
	s4 =	sshll.u32 s1, $0x4;
	s6 =	sshll.u32 s3, $0x3  }
0xb: {  	_ =	strace $0x8000004A;
	s23 =	ssub.s32 $0x2, s3;
	s3 =	sadd.s32 $0xA00, s0  }
0xc: {  	[dreg:$0x5] =	wrdreg s26;
	s26 =	simm.s32 $0x9880;
	s4 =	sor.u32 s6, s4  }
0xd: {  	s8 =	sshrl.u32 s23, $0x1;
	s7 =	sadd.s32 s4, s0;
	s9 =	smul.u32 $0x300, s4  }
0xe: {  	s6 =	ssub.s32 s23, s8;
	s4 =	sadd.s32 $0xB00, s0;
	s8 =	simm.s32 $0x80  }
0xf: {  	s23 =	simm.s32 $0x8080;
	s24 =	sadd.s32 $0x800, s7;
	s6 =	smax.u32 s6, $0x1  }
0x10: {  	v2 =	vlaneseq.u32;
	s7 =	simm.s32 $0x2;
	[dreg:$0x3] =	wrdreg s24;
	s25 =	sadd.s32 s5, s9  }
0x11: {  	vm0 =	vmmov $0xffff;
	v1 =	vshrl.u32 v2, $0x3;
	s5 =	sadd.s32 $0xC00, s0;
	s9 =	simm.s32 $0x1080;
	s24 =	simm.s32 $0x8880  }
0x12: {  	v0 =	vand.u32 $0x7, v2;
	v2 =	vor.u32 $0x8, v2;
	v1 =	vmul.u32 $0x8, v1;
	s0 =	simm.s32 $0x1;
	[dreg:$0x4] =	wrdreg s25;
	s25 =	simm.s32 $0x9080  }
.LBB2_1:
0x13: {  	s1 =	rddreg [dreg:$0x3]  }
0x14: {  	[tilespmem:s2], [sflag:$0x2] =	stream.linear.gather [hbm4b:s1+s2], $0x40, $0x38;
	[tilespmem:$0xC080] =	vst v63  }
0x15: {  	_ =	swait.ge [sflag:s7], $0x40  }
0x16: {  	[sflag:s7] =	ssyncset.done $0x0  }
0x17: {  	[sflag:s7] =	ssyncadd.s32 $0xFFFFFFC0  }
0x18: {  	v3 =	vld [tilespmem:$0x0];
	_ =	sdelay $0x4  }
0x19: {  	v4 =	vshrl.u32 v3, $0x3  }
0x1a: {  	v4 =	vmul.u32 $0x30, v4  }
0x1b: {  	v3 =	vand.u32 $0x7, v3  }
0x1c: {  	v3 =	vor.u32 v3, v4  }
0x1d: {  	v4 =	vperm.xlane v3, v0;
	_ =	sdelay $0x1  }
0x1e: {  	v4 =	vadd.s32 v1, v4;
	_ =	sdelay $0x3  }
0x1f: {  	v3 =	vperm.xlane v3, v2  }
0x20: {  	[tilespmem:s8], [sflag:$0x1] =	stream.indirect_vreg.gather [hbm4b:s3+s2], $0x80, v4, vm0, $0xb8;
	[tilespmem:$0xC080] =	vst v63  }
0x21: {  	s1 =	rddreg [dreg:$0x5];
	v3 =	vadd.s32 v1, v3  }
0x22: {  	[tilespmem:s1], [sflag:$0x1] =	stream.indirect_vreg.gather [hbm4b:s4+s2], $0x80, v4, vm0, $0xb8;
	[tilespmem:$0xC080] =	vst v63  }
0x23: {  	_ = 	snop  }
0x24: {  	[tilespmem:s9], [sflag:$0x1] =	stream.indirect_vreg.gather [hbm4b:s5+s2], $0x80, v4, vm0, $0xb8;
	[tilespmem:$0xC080] =	vst v63  }
0x25: {  	_ = 	snop  }
0x26: {  	[tilespmem:s10], [sflag:$0x1] =	stream.indirect_vreg.gather [hbm4b:s3+s2], $0x80, v3, vm0, $0xb8;
	[tilespmem:$0xC080] =	vst v63  }
0x27: {  	_ = 	snop  }
0x28: {  	[tilespmem:s11], [sflag:$0x1] =	stream.indirect_vreg.gather [hbm4b:s4+s2], $0x80, v3, vm0, $0xb8;
	[tilespmem:$0xC080] =	vst v63  }
0x29: {  	_ = 	snop  }
0x2a: {  	[tilespmem:s12], [sflag:$0x1] =	stream.indirect_vreg.gather [hbm4b:s5+s2], $0x80, v3, vm0, $0xb8;
	[tilespmem:$0xC080] =	vst v63  }
0x2b: {  	v3 =	vld [tilespmem:$0x10];
	_ =	sdelay $0x4  }
0x2c: {  	v61 =	vshrl.u32 v3, $0x3  }
0x2d: {  	v4 =	vmul.u32 $0x30, v61  }
0x2e: {  	v3 =	vand.u32 $0x7, v3  }
0x2f: {  	v3 =	vor.u32 v3, v4  }
0x30: {  	v4 =	vperm.xlane v3, v0;
	_ =	sdelay $0x1  }
0x31: {  	v4 =	vadd.s32 v1, v4;
	_ =	sdelay $0x3  }
0x32: {  	v3 =	vperm.xlane v3, v2  }
0x33: {  	[tilespmem:s13], [sflag:$0x1] =	stream.indirect_vreg.gather [hbm4b:s3+s2], $0x80, v4, vm0, $0xb8;
	[tilespmem:$0xC080] =	vst v63  }
0x34: {  	v3 =	vadd.s32 v1, v3  }
0x35: {  	[tilespmem:s14], [sflag:$0x1] =	stream.indirect_vreg.gather [hbm4b:s4+s2], $0x80, v4, vm0, $0xb8;
	[tilespmem:$0xC080] =	vst v63  }
0x36: {  	_ = 	snop  }
0x37: {  	[tilespmem:s15], [sflag:$0x1] =	stream.indirect_vreg.gather [hbm4b:s5+s2], $0x80, v4, vm0, $0xb8;
	[tilespmem:$0xC080] =	vst v63  }
0x38: {  	_ = 	snop  }
0x39: {  	[tilespmem:s16], [sflag:$0x1] =	stream.indirect_vreg.gather [hbm4b:s3+s2], $0x80, v3, vm0, $0xb8;
	[tilespmem:$0xC080] =	vst v63  }
0x3a: {  	_ = 	snop  }
0x3b: {  	[tilespmem:s17], [sflag:$0x1] =	stream.indirect_vreg.gather [hbm4b:s4+s2], $0x80, v3, vm0, $0xb8;
	[tilespmem:$0xC080] =	vst v63  }
0x3c: {  	_ = 	snop  }
0x3d: {  	[tilespmem:s18], [sflag:$0x1] =	stream.indirect_vreg.gather [hbm4b:s5+s2], $0x80, v3, vm0, $0xb8;
	[tilespmem:$0xC080] =	vst v63  }
0x3e: {  	v3 =	vld [tilespmem:$0x20];
	_ =	sdelay $0x4  }
0x3f: {  	v62 =	vshrl.u32 v3, $0x3  }
0x40: {  	v4 =	vmul.u32 $0x30, v62  }
0x41: {  	v3 =	vand.u32 $0x7, v3  }
0x42: {  	v3 =	vor.u32 v3, v4  }
0x43: {  	v4 =	vperm.xlane v3, v0;
	_ =	sdelay $0x1  }
0x44: {  	v4 =	vadd.s32 v1, v4;
	_ =	sdelay $0x3  }
0x45: {  	v3 =	vperm.xlane v3, v2  }
0x46: {  	[tilespmem:s19], [sflag:$0x1] =	stream.indirect_vreg.gather [hbm4b:s3+s2], $0x80, v4, vm0, $0xb8;
	[tilespmem:$0xC080] =	vst v63  }
0x47: {  	v3 =	vadd.s32 v1, v3  }
0x48: {  	[tilespmem:s20], [sflag:$0x1] =	stream.indirect_vreg.gather [hbm4b:s4+s2], $0x80, v4, vm0, $0xb8;
	[tilespmem:$0xC080] =	vst v63  }
0x49: {  	_ = 	snop  }
0x4a: {  	[tilespmem:s21], [sflag:$0x1] =	stream.indirect_vreg.gather [hbm4b:s5+s2], $0x80, v4, vm0, $0xb8;
	[tilespmem:$0xC080] =	vst v63  }
0x4b: {  	_ = 	snop  }
0x4c: {  	[tilespmem:s22], [sflag:$0x1] =	stream.indirect_vreg.gather [hbm4b:s3+s2], $0x80, v3, vm0, $0xb8;
	[tilespmem:$0xC080] =	vst v63  }
0x4d: {  	_ = 	snop  }
0x4e: {  	[tilespmem:s23], [sflag:$0x1] =	stream.indirect_vreg.gather [hbm4b:s4+s2], $0x80, v3, vm0, $0xb8;
	[tilespmem:$0xC080] =	vst v63  }
0x4f: {  	_ = 	snop  }
0x50: {  	[tilespmem:s24], [sflag:$0x1] =	stream.indirect_vreg.gather [hbm4b:s5+s2], $0x80, v3, vm0, $0xb8;
	[tilespmem:$0xC080] =	vst v63  }
0x51: {  	v3 =	vld [tilespmem:$0x30];
	_ =	sdelay $0x4  }
0x52: {  	v63 =	vshrl.u32 v3, $0x3  }
0x53: {  	v4 =	vmul.u32 $0x30, v63  }
0x54: {  	v3 =	vand.u32 $0x7, v3  }
0x55: {  	v3 =	vor.u32 v3, v4  }
0x56: {  	v4 =	vperm.xlane v3, v0;
	_ =	sdelay $0x1  }
0x57: {  	v4 =	vadd.s32 v1, v4;
	_ =	sdelay $0x3  }
0x58: {  	v3 =	vperm.xlane v3, v2  }
0x59: {  	[tilespmem:s25], [sflag:$0x1] =	stream.indirect_vreg.gather [hbm4b:s3+s2], $0x80, v4, vm0, $0xb8;
	[tilespmem:$0xC080] =	vst v63  }
0x5a: {  	v3 =	vadd.s32 v1, v3  }
0x5b: {  	[tilespmem:s26], [sflag:$0x1] =	stream.indirect_vreg.gather [hbm4b:s4+s2], $0x80, v4, vm0, $0xb8;
	[tilespmem:$0xC080] =	vst v63  }
0x5c: {  	_ = 	snop  }
0x5d: {  	[tilespmem:s28], [sflag:$0x1] =	stream.indirect_vreg.gather [hbm4b:s5+s2], $0x80, v4, vm0, $0xb8;
	[tilespmem:$0xC080] =	vst v63  }
0x5e: {  	_ = 	snop  }
0x5f: {  	[tilespmem:s29], [sflag:$0x1] =	stream.indirect_vreg.gather [hbm4b:s3+s2], $0x80, v3, vm0, $0xb8;
	[tilespmem:$0xC080] =	vst v63  }
0x60: {  	_ = 	snop  }
0x61: {  	[tilespmem:s30], [sflag:$0x1] =	stream.indirect_vreg.gather [hbm4b:s4+s2], $0x80, v3, vm0, $0xb8;
	[tilespmem:$0xC080] =	vst v63  }
0x62: {  	_ = 	snop  }
0x63: {  	[tilespmem:s31], [sflag:$0x1] =	stream.indirect_vreg.gather [hbm4b:s5+s2], $0x80, v3, vm0, $0xb8;
	[tilespmem:$0xC080] =	vst v63  }
0x64: {  	_ =	swait.ge [sflag:s0], $0xC000  }
0x65: {  	p0 =	sne.s32 s6, $0x1;
	[sflag:s0] =	ssyncset.done $0x0  }
.Ltmp0:
0x66: {  	s1 =	rddreg [dreg:$0x4];
	[sflag:s0] =	ssyncadd.s32 $0xFFFF4000;
	(pc) =	sbr.rel @p0 .LBB2_1-.Ltmp0, $4  }
0x67: {  	[hbm4b:s1+s2] =	stream.linear.scatter [tilespmem:s8], [sflag:$0x2], $0xC000, $0x38;
	[tilespmem:$0xC080] =	vst v63  }
0x68: {  	_ =	swait.ge [sflag:s7], $0xC000  }
0x69: {  	[sflag:s7] =	ssyncset.done $0x0  }
0x6a: {  	s6 =	sadd.s32 $0xFFFFFFFF, s6;
	[sflag:s7] =	ssyncadd.s32 $0xFFFF4000  }
0x6b: {  	_ =	sfence.sel $0x180000  }
0x6c: {  	[bflag:$0x0] =	sbarrier.arrive $0xFFFF  }
0x6d: {  	_ =	strace $0x9000004A  }
0x6e: {  	s0 =	stileid.u32;
	[bflag:$0x2] =	sbarrier.arrive $0xFFFF  }
0x6f: {  	p0 =	sne.s32 s0, $0x0;
	s0 =	rddreg [dreg:$0x2]  }
0x70: {  	s0 =	sadd.s32 @!p0 $0x100000, s0  }
0x71: {  	[sflag:s0] =	ssyncadd.tile.s32 @!p0 $0x1;
	_ =	shalt  }
.Lfunc_end2:
_tile_overlayer_lowered:
.L_overlay_start_2:
0x72: {  	(tag) =	ssettag $0x2  }
0x73: {  	s0 =	rddreg [dreg:$0x0];
	s2 =	stileid.u32  }
0x74: {  	s1 =	rddreg [dreg:$0x1];
	p0 =	sne.s32 s2, $0x0  }
0x75: {  	s3 =	rddreg [dreg:$0x2];
	[bflag:$0x3] =	sbarrier.arrive $0xFFFF;
	s2 =	simm.s32 @!p0 $0x1C02  }
0x76: {  	[timem:s3], [sflag:s2] =	dma.local @!p0 [hbm:s0], s1  }
0x77: {  	s0 =	simm.s32 @!p0 $0x2  }
0x78: {  	_ =	swait.ge @!p0 [sflag:s0], s1  }
0x79: {  	s1 =	ssub.s32 @!p0 $0x0, s1;
	[sflag:s0] =	ssyncset.done @!p0 $0x0  }
0x7a: {  	[sflag:s0] =	ssyncadd.s32 @!p0 s1  }
0x7b: {  	[bflag:$0x3] =	sbarrier.arrive $0xFFFF  }
0x7c: {  	_ =	shalt  }

</sc_bundles>
